<compile_context>
chip_gen: v7x
topology: tpu7x:2x2x1
jax: 0.10.2.dev20260603
libtpu: 0.0.44.dev20260713+nightly
codegen_flags: <defaults>
</compile_context>

<pallas_src>
import functools

import jax
import jax.numpy as jnp
from jax import lax
from jax.experimental import pallas as pl
from jax.experimental.pallas import tpu as pltpu
from jax.experimental.pallas import tpu_sc as plsc

NC = 2
NS = 16
NW = NC * NS



def _sc_scalar_scatter(E, N, NP, count_only):
    EW = E // NW
    CH = 80
    NCH = EW // CH
    TS = NP // NS
    mesh = plsc.VectorSubcoreMesh(core_axis_name="c", subcore_axis_name="s")

    @functools.partial(
        pl.kernel,
        out_type=jax.ShapeDtypeStruct((NC, 1, NP), jnp.float32),
        mesh=mesh,
        scratch_types=[
            pltpu.VMEM((NCH, CH), jnp.int32),
            pltpu.VMEM((NCH, CH), jnp.int32),
            pltpu.VMEM((N,), jnp.float32),
            pltpu.VMEM((NCH, CH), jnp.float32),
            pltpu.VMEM_SHARED((NP,), jnp.float32),
            pltpu.SemaphoreType.DMA,
        ],
        compiler_params=pltpu.CompilerParams(
            use_tc_tiling_on_sc=False, needs_layout_passes=False),
    )
    def k(src_hbm, dst_hbm, val_hbm, zvec_hbm, out_hbm,
          src_buf, dst_buf, val_tab, vals_buf, acc, sem):
        c = lax.axis_index("c")
        s = lax.axis_index("s")
        w = c * NS + s
        pltpu.sync_copy(zvec_hbm.at[pl.ds(s * TS, TS)], acc.at[pl.ds(s * TS, TS)])
        pltpu.sync_copy(dst_hbm.at[w], dst_buf)

        if count_only:
            ones16 = jnp.full((16,), 1.0, jnp.float32)
            for u in range(CH // 16):
                vals_buf[0, pl.ds(u * 16, 16)] = ones16
        else:
            pltpu.sync_copy(val_hbm, val_tab)
            pltpu.sync_copy(src_hbm.at[w], src_buf)

            def gather_body(j, carry):
                for u in range(CH // 16):
                    idx = src_buf[j, pl.ds(u * 16, 16)]
                    vals_buf[j, pl.ds(u * 16, 16)] = plsc.load_gather(val_tab, [idx])
                return carry

            lax.fori_loop(0, NCH, gather_body, 0)
        plsc.subcore_barrier()

        def scatter_body(j, carry):
            jv = 0 if count_only else j
            pltpu.sync_copy(vals_buf.at[jv], acc.at[dst_buf.at[j]], add=True)
            return carry

        lax.fori_loop(0, NCH, scatter_body, 0)
        plsc.subcore_barrier()
        pltpu.sync_copy(acc.at[pl.ds(s * TS, TS)],
                        out_hbm.at[c, 0, pl.ds(s * TS, TS)])

    return k


def _sc_row_scatter(E, N, NR, D):
    EW = E // NW
    CH = 100
    NCH = EW // CH
    RT = NR // NS
    mesh = plsc.VectorSubcoreMesh(core_axis_name="c", subcore_axis_name="s")

    @functools.partial(
        pl.kernel,
        out_type=jax.ShapeDtypeStruct((NC, NR, D), jnp.float32),
        mesh=mesh,
        scratch_types=[
            pltpu.VMEM((NCH, CH), jnp.int32),
            pltpu.VMEM((NCH, CH), jnp.int32),
            pltpu.VMEM((CH, D), jnp.float32),
            pltpu.VMEM((CH, D), jnp.float32),
            pltpu.VMEM_SHARED((NR, D), jnp.float32),
            pltpu.SemaphoreType.DMA,
            pltpu.SemaphoreType.DMA,
        ],
        compiler_params=pltpu.CompilerParams(
            use_tc_tiling_on_sc=False, needs_layout_passes=False),
    )
    def k(src_hbm, dst_hbm, tab_hbm, zrows_hbm, out_hbm,
          src_buf, dst_buf, rows0, rows1, acc, sem0, sem1):
        c = lax.axis_index("c")
        s = lax.axis_index("s")
        w = c * NS + s
        pltpu.sync_copy(src_hbm.at[w], src_buf)
        pltpu.sync_copy(dst_hbm.at[w], dst_buf)
        pltpu.async_copy(tab_hbm.at[src_buf.at[0]], rows0, sem0)
        pltpu.sync_copy(zrows_hbm.at[pl.ds(s * RT, RT)], acc.at[pl.ds(s * RT, RT)])
        plsc.subcore_barrier()

        def body(i, carry):
            j0 = 2 * i
            j1 = 2 * i + 1
            pltpu.make_async_copy(tab_hbm.at[src_buf.at[j0]], rows0, sem0).wait()
            pltpu.async_copy(tab_hbm.at[src_buf.at[j1]], rows1, sem1)
            pltpu.sync_copy(rows0, acc.at[dst_buf.at[j0]], add=True)
            pltpu.make_async_copy(tab_hbm.at[src_buf.at[j1]], rows1, sem1).wait()
            jn = lax.min(j0 + 2, NCH - 1)
            pltpu.async_copy(tab_hbm.at[src_buf.at[jn]], rows0, sem0)
            pltpu.sync_copy(rows1, acc.at[dst_buf.at[j1]], add=True)
            return carry

        lax.fori_loop(0, NCH // 2, body, 0)
        pltpu.make_async_copy(tab_hbm.at[src_buf.at[NCH - 1]], rows0, sem0).wait()
        plsc.subcore_barrier()
        pltpu.sync_copy(acc.at[pl.ds(s * RT, RT)], out_hbm.at[c, pl.ds(s * RT, RT)])

    return k



def _tc_scale(N, D, H, B):
    def body(x_b, w1_b, d0_b, d1_b, dinv_b, xws_b):
        deg = d0_b[...] + d1_b[...] + 1.0
        dinv = jnp.where(deg > 0, lax.rsqrt(deg), 0.0)
        dinv_b[...] = dinv
        xw = jnp.dot(x_b[...], w1_b[...], preferred_element_type=jnp.float32)
        xws_b[...] = dinv * xw

    return pl.pallas_call(
        body,
        grid=(N // B,),
        in_specs=[
            pl.BlockSpec((B, D), lambda i: (i, 0)),
            pl.BlockSpec((D, H), lambda i: (0, 0)),
            pl.BlockSpec((B, 1), lambda i: (i, 0)),
            pl.BlockSpec((B, 1), lambda i: (i, 0)),
        ],
        out_specs=[
            pl.BlockSpec((B, 1), lambda i: (i, 0)),
            pl.BlockSpec((B, H), lambda i: (i, 0)),
        ],
        out_shape=[
            jax.ShapeDtypeStruct((N, 1), jnp.float32),
            jax.ShapeDtypeStruct((N, H), jnp.float32),
        ],
    )


def _tc_layer1(N, H, B):
    def body(a0_b, a1_b, xws_b, dinv_b, b1_b, w2_b, zs_b):
        dinv = dinv_b[...]
        h1 = dinv * (a0_b[...] + a1_b[...] + xws_b[...]) + b1_b[...]
        h1 = jnp.maximum(h1, 0.0)
        z = jnp.dot(h1, w2_b[...], preferred_element_type=jnp.float32)
        zs_b[...] = dinv * z

    return pl.pallas_call(
        body,
        grid=(N // B,),
        in_specs=[
            pl.BlockSpec((B, H), lambda i: (i, 0)),
            pl.BlockSpec((B, H), lambda i: (i, 0)),
            pl.BlockSpec((B, H), lambda i: (i, 0)),
            pl.BlockSpec((B, 1), lambda i: (i, 0)),
            pl.BlockSpec((1, H), lambda i: (0, 0)),
            pl.BlockSpec((H, 1), lambda i: (0, 0)),
        ],
        out_specs=pl.BlockSpec((B, 1), lambda i: (i, 0)),
        out_shape=jax.ShapeDtypeStruct((N, 1), jnp.float32),
    )


def _tc_final(N, B):
    def body(c0_b, c1_b, zs_b, dinv_b, b2_b, xl_b, o_b):
        o = dinv_b[...] * (c0_b[...] + c1_b[...] + zs_b[...]) + b2_b[...]
        o_b[...] = jnp.maximum(o, 0.0) + xl_b[...]

    col = lambda i: (i, 0)
    return pl.pallas_call(
        body,
        grid=(N // B,),
        in_specs=[
            pl.BlockSpec((B, 1), col),
            pl.BlockSpec((B, 1), col),
            pl.BlockSpec((B, 1), col),
            pl.BlockSpec((B, 1), col),
            pl.BlockSpec((1, 1), lambda i: (0, 0)),
            pl.BlockSpec((B, 1), col),
        ],
        out_specs=pl.BlockSpec((B, 1), col),
        out_shape=jax.ShapeDtypeStruct((N, 1), jnp.float32),
    )



def kernel(x, edge_index, batch, W1, b1, W2, b2):
    N, D = x.shape
    H = W1.shape[1]
    E = edge_index.shape[1]
    NP = ((N + 128 * NS - 1) // (128 * NS)) * (128 * NS)
    NR = NP
    B = N // 10
    EW = E // NW

    src = edge_index[0]
    dst = edge_index[1]
    src3s = src.reshape(NW, EW // 80, 80)
    dst3s = dst.reshape(NW, EW // 80, 80)
    src3r = src.reshape(NW, EW // 100, 100)
    dst3r = dst.reshape(NW, EW // 100, 100)

    ones_n = jnp.ones((N,), jnp.float32)
    zvec = jnp.zeros((NP,), jnp.float32)
    zrows = jnp.zeros((NR, D), jnp.float32)

    scalar_scatter = _sc_scalar_scatter(E, N, NP, count_only=False)
    count_scatter = _sc_scalar_scatter(E, N, NP, count_only=True)
    row_scatter = _sc_row_scatter(E, N, NR, D)

    degp = count_scatter(src3s, dst3s, ones_n, zvec)
    d0 = degp[0, 0, :N].reshape(N, 1)
    d1 = degp[1, 0, :N].reshape(N, 1)

    dinv, xws = _tc_scale(N, D, H, B)(x, W1, d0, d1)

    accp = row_scatter(src3r, dst3r, xws, zrows)

    zs = _tc_layer1(N, H, B)(
        accp[0, :N], accp[1, :N], xws, dinv, b1.reshape(1, H), W2)

    acc2p = scalar_scatter(src3s, dst3s, zs.reshape(N), zvec)
    c0 = acc2p[0, 0, :N].reshape(N, 1)
    c1 = acc2p[1, 0, :N].reshape(N, 1)

    out_col = _tc_final(N, B)(
        c0, c1, zs, dinv, b2.reshape(1, 1), x[:, -1:])
    return out_col.reshape(1, N)

# --- scband reference (transcript-rebuilt; emitter-appended) ---
"""Pipeline reference for scband-gcn-33784212750512 (READ-ONLY COPY).

The authoritative reference and input builder live on the scoring server;
editing this copy changes nothing except your own understanding.
"""

import jax, jax.numpy as jnp
import numpy as np

N = 10000
E = 320000
D = 128


def gcn_conv(x, edge_index, W, b):
    n = x.shape[0]
    src = edge_index[0]
    dst = edge_index[1]
    loop = jnp.arange(n, dtype=src.dtype)
    src = jnp.concatenate([src, loop])
    dst = jnp.concatenate([dst, loop])
    deg = jnp.zeros((n,), x.dtype).at[dst].add(jnp.ones((src.shape[0],), x.dtype))
    dinv = jnp.where(deg > 0, 1.0 / jnp.sqrt(deg), 0.0)
    norm = dinv[src] * dinv[dst]
    xw = x @ W
    out = jnp.zeros((n, W.shape[1]), x.dtype).at[dst].add(norm[:, None] * xw[src])
    return out + b


def setup_inputs(seed: int = 0) -> dict:
    key = jax.random.key(seed)
    k1, k2, k3, k4 = jax.random.split(key, 4)
    x = jax.random.normal(k1, (N, D), dtype=jnp.float32)
    edge_index = jax.random.randint(k2, (2, E), 0, N, dtype=jnp.int32)
    batch = jnp.zeros((N,), dtype=jnp.int32)
    # GCNConv layer 0: input_dim=128 -> hidden_dim=128
    W1 = jax.random.normal(k3, (D, 128), dtype=jnp.float32) * (1.0 / np.sqrt(D))
    b1 = jnp.zeros((128,), dtype=jnp.float32)
    # GCNConv layer 1: hidden_dim=128 -> output_dim=1
    W2 = jax.random.normal(k4, (128, 1), dtype=jnp.float32) * (1.0 / np.sqrt(128))
    b2 = jnp.zeros((1,), dtype=jnp.float32)
    return {"x": x, "edge_index": edge_index, "batch": batch, "W1": W1, "b1": b1, "W2": W2, "b2": b2}


def reference(x, edge_index, batch, W1, b1, W2, b2):
    batch_size = 1
    num_features = x.shape[1]
    num_nodes = x.shape[0] // batch_size
    x_last = x.reshape(batch_size, num_nodes, num_features)[:, :, -1]
    # layer 0 (dropout is identity in eval mode)
    h = gcn_conv(x.reshape(batch_size * num_nodes, -1), edge_index, W1, b1)
    h = jax.nn.relu(h)
    # layer 1 (last)
    h = gcn_conv(h.reshape(batch_size * num_nodes, -1), edge_index, W2, b2)
    h = jax.nn.relu(h)
    x_res = h.reshape(batch_size, num_nodes)
    x_pred = x_res + x_last
    x_pred = x_pred + jnp.max(batch).astype(x.dtype) * jnp.zeros((), x.dtype)
    return x_pred

if __name__ == "__main__":
    import jax
    _d = setup_inputs()
    print(jax.jit(kernel)(*tuple(_d.values())))

</pallas_src>

<mosaic_0001>
#map = affine_map<(d0, d1) -> (0, 0, 0)>
#map1 = affine_map<(d0, d1) -> (0, 0)>
module attributes {stable_mosaic.version = 14 : i64} {
  func.func @k(%arg0: i32, %arg1: i32, %arg2: memref<32x100x100xi32, #tpu.memory_space<hbm>>, %arg3: memref<32x100x100xi32, #tpu.memory_space<hbm>>, %arg4: memref<10000x128xf32, #tpu.memory_space<hbm>>, %arg5: memref<10240x128xf32, #tpu.memory_space<hbm>>, %arg6: memref<2x10240x128xf32, #tpu.memory_space<hbm>>, %arg7: memref<100x100xi32, #tpu.memory_space<vmem>>, %arg8: memref<100x100xi32, #tpu.memory_space<vmem>>, %arg9: memref<100x128xf32, #tpu.memory_space<vmem>>, %arg10: memref<100x128xf32, #tpu.memory_space<vmem>>, %arg11: memref<10240x128xf32, #tpu.memory_space<vmem_shared>>, %arg12: memref<!tpu.dma_semaphore, #tpu.memory_space<semaphore_mem>>, %arg13: memref<!tpu.dma_semaphore, #tpu.memory_space<semaphore_mem>>) attributes {dimension_semantics = [#tpu.dimension_semantics<core_parallel>, #tpu.dimension_semantics<subcore_parallel>], iteration_bounds = array<i64: 2, 16>, scalar_prefetch = 0 : i64, scratch_operands = 7 : i64, tpu.core_type = #tpu.core_type<sc_vector_subcore>, window_params = [{transform_indices = #map}, {transform_indices = #map}, {transform_indices = #map1}, {transform_indices = #map1}, {transform_indices = #map}]} {
    %mul3A = arith.constant 16 : i32
    %mul3A_0 = arith.muli %arg0, %mul3A : i32
    %add3A = arith.addi %mul3A_0, %arg1 : i32
    "tpu.region"() ({
      %run_scoped3A = tpu.sem_alloc : memref<!tpu.dma_semaphore, #tpu.memory_space<semaphore_mem>>
      %dma_start3A_27 = arith.constant 0 : i32
      %dma_start3A_28 = arith.constant 0 : i32
      %dma_start3A_29 = tpu.memref_slice %arg2[%add3A, %dma_start3A_27, %dma_start3A_28] : memref<32x100x100xi32, #tpu.memory_space<hbm>> -> memref<1x100x100xi32, #tpu.memory_space<hbm>>
      %dma_start3A_30 = tpu.memref_squeeze %dma_start3A_29 : memref<1x100x100xi32, #tpu.memory_space<hbm>> -> memref<100x100xi32, #tpu.memory_space<hbm>>
      %dma_start3A_31 = arith.constant 0 : i32
      %dma_start3A_32 = arith.constant 0 : i32
      %dma_start3A_33 = tpu.memref_slice %arg2[%add3A, %dma_start3A_31, %dma_start3A_32] : memref<32x100x100xi32, #tpu.memory_space<hbm>> -> memref<1x100x100xi32, #tpu.memory_space<hbm>>
      %dma_start3A_34 = tpu.memref_squeeze %dma_start3A_33 : memref<1x100x100xi32, #tpu.memory_space<hbm>> -> memref<100x100xi32, #tpu.memory_space<hbm>>
      tpu.enqueue_dma source(%dma_start3A_34 : memref<100x100xi32, #tpu.memory_space<hbm>>) target(%arg7 : memref<100x100xi32, #tpu.memory_space<vmem>>) target_semaphore(%run_scoped3A : memref<!tpu.dma_semaphore, #tpu.memory_space<semaphore_mem>>)
      %dma_wait3A_35 = arith.constant 0 : i32
      %dma_wait3A_36 = arith.constant 0 : i32
      %dma_wait3A_37 = tpu.memref_slice %arg2[%add3A, %dma_wait3A_35, %dma_wait3A_36] : memref<32x100x100xi32, #tpu.memory_space<hbm>> -> memref<1x100x100xi32, #tpu.memory_space<hbm>>
      %dma_wait3A_38 = tpu.memref_squeeze %dma_wait3A_37 : memref<1x100x100xi32, #tpu.memory_space<hbm>> -> memref<100x100xi32, #tpu.memory_space<hbm>>
      %dma_wait3A_39 = arith.constant 0 : i32
      %dma_wait3A_40 = arith.constant 0 : i32
      %dma_wait3A_41 = tpu.memref_slice %arg2[%add3A, %dma_wait3A_39, %dma_wait3A_40] : memref<32x100x100xi32, #tpu.memory_space<hbm>> -> memref<1x100x100xi32, #tpu.memory_space<hbm>>
      %dma_wait3A_42 = tpu.memref_squeeze %dma_wait3A_41 : memref<1x100x100xi32, #tpu.memory_space<hbm>> -> memref<100x100xi32, #tpu.memory_space<hbm>>
      tpu.wait_dma2 semaphore(%run_scoped3A : memref<!tpu.dma_semaphore, #tpu.memory_space<semaphore_mem>>) src(%dma_wait3A_42 : memref<100x100xi32, #tpu.memory_space<hbm>>) dst(%arg7 : memref<100x100xi32, #tpu.memory_space<vmem>>)
      tpu.yield
    }) : () -> ()
    "tpu.region"() ({
      %run_scoped3A = tpu.sem_alloc : memref<!tpu.dma_semaphore, #tpu.memory_space<semaphore_mem>>
      %dma_start3A_27 = arith.constant 0 : i32
      %dma_start3A_28 = arith.constant 0 : i32
      %dma_start3A_29 = tpu.memref_slice %arg3[%add3A, %dma_start3A_27, %dma_start3A_28] : memref<32x100x100xi32, #tpu.memory_space<hbm>> -> memref<1x100x100xi32, #tpu.memory_space<hbm>>
      %dma_start3A_30 = tpu.memref_squeeze %dma_start3A_29 : memref<1x100x100xi32, #tpu.memory_space<hbm>> -> memref<100x100xi32, #tpu.memory_space<hbm>>
      %dma_start3A_31 = arith.constant 0 : i32
      %dma_start3A_32 = arith.constant 0 : i32
      %dma_start3A_33 = tpu.memref_slice %arg3[%add3A, %dma_start3A_31, %dma_start3A_32] : memref<32x100x100xi32, #tpu.memory_space<hbm>> -> memref<1x100x100xi32, #tpu.memory_space<hbm>>
      %dma_start3A_34 = tpu.memref_squeeze %dma_start3A_33 : memref<1x100x100xi32, #tpu.memory_space<hbm>> -> memref<100x100xi32, #tpu.memory_space<hbm>>
      tpu.enqueue_dma source(%dma_start3A_34 : memref<100x100xi32, #tpu.memory_space<hbm>>) target(%arg8 : memref<100x100xi32, #tpu.memory_space<vmem>>) target_semaphore(%run_scoped3A : memref<!tpu.dma_semaphore, #tpu.memory_space<semaphore_mem>>)
      %dma_wait3A_35 = arith.constant 0 : i32
      %dma_wait3A_36 = arith.constant 0 : i32
      %dma_wait3A_37 = tpu.memref_slice %arg3[%add3A, %dma_wait3A_35, %dma_wait3A_36] : memref<32x100x100xi32, #tpu.memory_space<hbm>> -> memref<1x100x100xi32, #tpu.memory_space<hbm>>
      %dma_wait3A_38 = tpu.memref_squeeze %dma_wait3A_37 : memref<1x100x100xi32, #tpu.memory_space<hbm>> -> memref<100x100xi32, #tpu.memory_space<hbm>>
      %dma_wait3A_39 = arith.constant 0 : i32
      %dma_wait3A_40 = arith.constant 0 : i32
      %dma_wait3A_41 = tpu.memref_slice %arg3[%add3A, %dma_wait3A_39, %dma_wait3A_40] : memref<32x100x100xi32, #tpu.memory_space<hbm>> -> memref<1x100x100xi32, #tpu.memory_space<hbm>>
      %dma_wait3A_42 = tpu.memref_squeeze %dma_wait3A_41 : memref<1x100x100xi32, #tpu.memory_space<hbm>> -> memref<100x100xi32, #tpu.memory_space<hbm>>
      tpu.wait_dma2 semaphore(%run_scoped3A : memref<!tpu.dma_semaphore, #tpu.memory_space<semaphore_mem>>) src(%dma_wait3A_42 : memref<100x100xi32, #tpu.memory_space<hbm>>) dst(%arg8 : memref<100x100xi32, #tpu.memory_space<vmem>>)
      tpu.yield
    }) : () -> ()
    %dma_start3A = arith.constant 0 : i32
    %dma_start3A_1 = arith.constant 0 : i32
    %dma_start3A_2 = tpu.memref_slice %arg7[%dma_start3A, %dma_start3A_1] : memref<100x100xi32, #tpu.memory_space<vmem>> -> memref<1x100xi32, #tpu.memory_space<vmem>>
    %dma_start3A_3 = tpu.memref_squeeze %dma_start3A_2 : memref<1x100xi32, #tpu.memory_space<vmem>> -> memref<100xi32, #tpu.memory_space<vmem>>
    %dma_start3A_4 = arith.constant 0 : i32
    %dma_start3A_5 = arith.constant 0 : i32
    %dma_start3A_6 = tpu.memref_slice %arg4[%dma_start3A_4, %dma_start3A_5] : memref<10000x128xf32, #tpu.memory_space<hbm>> -> memref<10000x128xf32, #tpu.memory_space<hbm>>
    tpu.enqueue_indirect_dma source(%dma_start3A_6 : memref<10000x128xf32, #tpu.memory_space<hbm>>) target(%arg9 : memref<100x128xf32, #tpu.memory_space<vmem>>) offsets(%dma_start3A_3 : memref<100xi32, #tpu.memory_space<vmem>>) semaphore(%arg12 : memref<!tpu.dma_semaphore, #tpu.memory_space<semaphore_mem>>)
    %mul3A_7 = arith.constant 640 : i32
    %mul3A_8 = arith.muli %arg1, %mul3A_7 : i32
    %mul3A_9 = arith.constant 640 : i32
    %mul3A_10 = arith.muli %arg1, %mul3A_9 : i32
    "tpu.region"() ({
      %run_scoped3A = tpu.sem_alloc : memref<!tpu.dma_semaphore, #tpu.memory_space<semaphore_mem>>
      %dma_start3A_27 = arith.constant 0 : i32
      %dma_start3A_28 = tpu.memref_slice %arg11[%mul3A_10, %dma_start3A_27] : memref<10240x128xf32, #tpu.memory_space<vmem_shared>> -> memref<640x128xf32, #tpu.memory_space<vmem_shared>>
      %dma_start3A_29 = arith.constant 0 : i32
      %dma_start3A_30 = tpu.memref_slice %arg5[%mul3A_8, %dma_start3A_29] : memref<10240x128xf32, #tpu.memory_space<hbm>> -> memref<640x128xf32, #tpu.memory_space<hbm>>
      tpu.enqueue_dma source(%dma_start3A_30 : memref<640x128xf32, #tpu.memory_space<hbm>>) target(%dma_start3A_28 : memref<640x128xf32, #tpu.memory_space<vmem_shared>>) target_semaphore(%run_scoped3A : memref<!tpu.dma_semaphore, #tpu.memory_space<semaphore_mem>>)
      %dma_wait3A_31 = arith.constant 0 : i32
      %dma_wait3A_32 = tpu.memref_slice %arg11[%mul3A_10, %dma_wait3A_31] : memref<10240x128xf32, #tpu.memory_space<vmem_shared>> -> memref<640x128xf32, #tpu.memory_space<vmem_shared>>
      %dma_wait3A_33 = arith.constant 0 : i32
      %dma_wait3A_34 = tpu.memref_slice %arg5[%mul3A_8, %dma_wait3A_33] : memref<10240x128xf32, #tpu.memory_space<hbm>> -> memref<640x128xf32, #tpu.memory_space<hbm>>
      tpu.wait_dma2 semaphore(%run_scoped3A : memref<!tpu.dma_semaphore, #tpu.memory_space<semaphore_mem>>) src(%dma_wait3A_34 : memref<640x128xf32, #tpu.memory_space<hbm>>) dst(%dma_wait3A_32 : memref<640x128xf32, #tpu.memory_space<vmem_shared>>)
      tpu.yield
    }) : () -> ()
    %barrier3A = arith.constant 0 : index
    tpu.barrier barrier_id(%barrier3A)
    %scan3A = arith.constant 0 : i32
    %scan3A_11 = arith.constant 0 : i32
    %scan3A_12 = arith.constant 50 : i32
    %scan3A_13 = arith.addi %scan3A_11, %scan3A_12 : i32
    %scan3A_14 = arith.constant 1 : i32
    scf.for %scan3A_27 = %scan3A_11 to %scan3A_13 step %scan3A_14  : i32 {
      %mul3A_28 = arith.constant 2 : i32
      %mul3A_29 = arith.muli %mul3A_28, %scan3A_27 : i32
      %mul3A_30 = arith.constant 2 : i32
      %mul3A_31 = arith.muli %mul3A_30, %scan3A_27 : i32
      %add3A_32 = arith.constant 1 : i32
      %add3A_33 = arith.addi %mul3A_31, %add3A_32 : i32
      %dma_wait3A_34 = arith.constant 0 : i32
      %dma_wait3A_35 = tpu.memref_slice %arg7[%mul3A_29, %dma_wait3A_34] : memref<100x100xi32, #tpu.memory_space<vmem>> -> memref<1x100xi32, #tpu.memory_space<vmem>>
      %dma_wait3A_36 = tpu.memref_squeeze %dma_wait3A_35 : memref<1x100xi32, #tpu.memory_space<vmem>> -> memref<100xi32, #tpu.memory_space<vmem>>
      %dma_wait3A_37 = arith.constant 0 : i32
      %dma_wait3A_38 = arith.constant 0 : i32
      %dma_wait3A_39 = tpu.memref_slice %arg4[%dma_wait3A_37, %dma_wait3A_38] : memref<10000x128xf32, #tpu.memory_space<hbm>> -> memref<10000x128xf32, #tpu.memory_space<hbm>>
      tpu.wait_indirect_dma semaphore(%arg12 : memref<!tpu.dma_semaphore, #tpu.memory_space<semaphore_mem>>) src(%dma_wait3A_39 : memref<10000x128xf32, #tpu.memory_space<hbm>>) dst(%arg9 : memref<100x128xf32, #tpu.memory_space<vmem>>)
      %dma_start3A_40 = arith.constant 0 : i32
      %dma_start3A_41 = tpu.memref_slice %arg7[%add3A_33, %dma_start3A_40] : memref<100x100xi32, #tpu.memory_space<vmem>> -> memref<1x100xi32, #tpu.memory_space<vmem>>
      %dma_start3A_42 = tpu.memref_squeeze %dma_start3A_41 : memref<1x100xi32, #tpu.memory_space<vmem>> -> memref<100xi32, #tpu.memory_space<vmem>>
      %dma_start3A_43 = arith.constant 0 : i32
      %dma_start3A_44 = arith.constant 0 : i32
      %dma_start3A_45 = tpu.memref_slice %arg4[%dma_start3A_43, %dma_start3A_44] : memref<10000x128xf32, #tpu.memory_space<hbm>> -> memref<10000x128xf32, #tpu.memory_space<hbm>>
      tpu.enqueue_indirect_dma source(%dma_start3A_45 : memref<10000x128xf32, #tpu.memory_space<hbm>>) target(%arg10 : memref<100x128xf32, #tpu.memory_space<vmem>>) offsets(%dma_start3A_42 : memref<100xi32, #tpu.memory_space<vmem>>) semaphore(%arg13 : memref<!tpu.dma_semaphore, #tpu.memory_space<semaphore_mem>>)
      "tpu.region"() ({
        %run_scoped3A = tpu.sem_alloc : memref<!tpu.dma_semaphore, #tpu.memory_space<semaphore_mem>>
        %dma_start3A_61 = arith.constant 0 : i32
        %dma_start3A_62 = tpu.memref_slice %arg8[%mul3A_29, %dma_start3A_61] : memref<100x100xi32, #tpu.memory_space<vmem>> -> memref<1x100xi32, #tpu.memory_space<vmem>>
        %dma_start3A_63 = tpu.memref_squeeze %dma_start3A_62 : memref<1x100xi32, #tpu.memory_space<vmem>> -> memref<100xi32, #tpu.memory_space<vmem>>
        %dma_start3A_64 = arith.constant 0 : i32
        %dma_start3A_65 = arith.constant 0 : i32
        %dma_start3A_66 = tpu.memref_slice %arg11[%dma_start3A_64, %dma_start3A_65] : memref<10240x128xf32, #tpu.memory_space<vmem_shared>> -> memref<10240x128xf32, #tpu.memory_space<vmem_shared>>
        tpu.enqueue_indirect_dma source(%arg9 : memref<100x128xf32, #tpu.memory_space<vmem>>) target(%dma_start3A_66 : memref<10240x128xf32, #tpu.memory_space<vmem_shared>>) offsets(%dma_start3A_63 : memref<100xi32, #tpu.memory_space<vmem>>) semaphore(%run_scoped3A : memref<!tpu.dma_semaphore, #tpu.memory_space<semaphore_mem>>) {add = true}
        %dma_wait3A_67 = arith.constant 0 : i32
        %dma_wait3A_68 = tpu.memref_slice %arg8[%mul3A_29, %dma_wait3A_67] : memref<100x100xi32, #tpu.memory_space<vmem>> -> memref<1x100xi32, #tpu.memory_space<vmem>>
        %dma_wait3A_69 = tpu.memref_squeeze %dma_wait3A_68 : memref<1x100xi32, #tpu.memory_space<vmem>> -> memref<100xi32, #tpu.memory_space<vmem>>
        %dma_wait3A_70 = arith.constant 0 : i32
        %dma_wait3A_71 = arith.constant 0 : i32
        %dma_wait3A_72 = tpu.memref_slice %arg11[%dma_wait3A_70, %dma_wait3A_71] : memref<10240x128xf32, #tpu.memory_space<vmem_shared>> -> memref<10240x128xf32, #tpu.memory_space<vmem_shared>>
        tpu.wait_indirect_dma semaphore(%run_scoped3A : memref<!tpu.dma_semaphore, #tpu.memory_space<semaphore_mem>>) src(%arg9 : memref<100x128xf32, #tpu.memory_space<vmem>>) dst(%dma_wait3A_72 : memref<10240x128xf32, #tpu.memory_space<vmem_shared>>)
        tpu.yield
      }) : () -> ()
      %dma_wait3A_46 = arith.constant 0 : i32
      %dma_wait3A_47 = tpu.memref_slice %arg7[%add3A_33, %dma_wait3A_46] : memref<100x100xi32, #tpu.memory_space<vmem>> -> memref<1x100xi32, #tpu.memory_space<vmem>>
      %dma_wait3A_48 = tpu.memref_squeeze %dma_wait3A_47 : memref<1x100xi32, #tpu.memory_space<vmem>> -> memref<100xi32, #tpu.memory_space<vmem>>
      %dma_wait3A_49 = arith.constant 0 : i32
      %dma_wait3A_50 = arith.constant 0 : i32
      %dma_wait3A_51 = tpu.memref_slice %arg4[%dma_wait3A_49, %dma_wait3A_50] : memref<10000x128xf32, #tpu.memory_space<hbm>> -> memref<10000x128xf32, #tpu.memory_space<hbm>>
      tpu.wait_indirect_dma semaphore(%arg13 : memref<!tpu.dma_semaphore, #tpu.memory_space<semaphore_mem>>) src(%dma_wait3A_51 : memref<10000x128xf32, #tpu.memory_space<hbm>>) dst(%arg10 : memref<100x128xf32, #tpu.memory_space<vmem>>)
      %add3A_52 = arith.constant 2 : i32
      %add3A_53 = arith.addi %mul3A_29, %add3A_52 : i32
      %min3A = arith.constant 99 : i32
      %min3A_54 = arith.minsi %add3A_53, %min3A : i32
      %dma_start3A_55 = arith.constant 0 : i32
      %dma_start3A_56 = tpu.memref_slice %arg7[%min3A_54, %dma_start3A_55] : memref<100x100xi32, #tpu.memory_space<vmem>> -> memref<1x100xi32, #tpu.memory_space<vmem>>
      %dma_start3A_57 = tpu.memref_squeeze %dma_start3A_56 : memref<1x100xi32, #tpu.memory_space<vmem>> -> memref<100xi32, #tpu.memory_space<vmem>>
      %dma_start3A_58 = arith.constant 0 : i32
      %dma_start3A_59 = arith.constant 0 : i32
      %dma_start3A_60 = tpu.memref_slice %arg4[%dma_start3A_58, %dma_start3A_59] : memref<10000x128xf32, #tpu.memory_space<hbm>> -> memref<10000x128xf32, #tpu.memory_space<hbm>>
      tpu.enqueue_indirect_dma source(%dma_start3A_60 : memref<10000x128xf32, #tpu.memory_space<hbm>>) target(%arg9 : memref<100x128xf32, #tpu.memory_space<vmem>>) offsets(%dma_start3A_57 : memref<100xi32, #tpu.memory_space<vmem>>) semaphore(%arg12 : memref<!tpu.dma_semaphore, #tpu.memory_space<semaphore_mem>>)
      "tpu.region"() ({
        %run_scoped3A = tpu.sem_alloc : memref<!tpu.dma_semaphore, #tpu.memory_space<semaphore_mem>>
        %dma_start3A_61 = arith.constant 0 : i32
        %dma_start3A_62 = tpu.memref_slice %arg8[%add3A_33, %dma_start3A_61] : memref<100x100xi32, #tpu.memory_space<vmem>> -> memref<1x100xi32, #tpu.memory_space<vmem>>
        %dma_start3A_63 = tpu.memref_squeeze %dma_start3A_62 : memref<1x100xi32, #tpu.memory_space<vmem>> -> memref<100xi32, #tpu.memory_space<vmem>>
        %dma_start3A_64 = arith.constant 0 : i32
        %dma_start3A_65 = arith.constant 0 : i32
        %dma_start3A_66 = tpu.memref_slice %arg11[%dma_start3A_64, %dma_start3A_65] : memref<10240x128xf32, #tpu.memory_space<vmem_shared>> -> memref<10240x128xf32, #tpu.memory_space<vmem_shared>>
        tpu.enqueue_indirect_dma source(%arg10 : memref<100x128xf32, #tpu.memory_space<vmem>>) target(%dma_start3A_66 : memref<10240x128xf32, #tpu.memory_space<vmem_shared>>) offsets(%dma_start3A_63 : memref<100xi32, #tpu.memory_space<vmem>>) semaphore(%run_scoped3A : memref<!tpu.dma_semaphore, #tpu.memory_space<semaphore_mem>>) {add = true}
        %dma_wait3A_67 = arith.constant 0 : i32
        %dma_wait3A_68 = tpu.memref_slice %arg8[%add3A_33, %dma_wait3A_67] : memref<100x100xi32, #tpu.memory_space<vmem>> -> memref<1x100xi32, #tpu.memory_space<vmem>>
        %dma_wait3A_69 = tpu.memref_squeeze %dma_wait3A_68 : memref<1x100xi32, #tpu.memory_space<vmem>> -> memref<100xi32, #tpu.memory_space<vmem>>
        %dma_wait3A_70 = arith.constant 0 : i32
        %dma_wait3A_71 = arith.constant 0 : i32
        %dma_wait3A_72 = tpu.memref_slice %arg11[%dma_wait3A_70, %dma_wait3A_71] : memref<10240x128xf32, #tpu.memory_space<vmem_shared>> -> memref<10240x128xf32, #tpu.memory_space<vmem_shared>>
        tpu.wait_indirect_dma semaphore(%run_scoped3A : memref<!tpu.dma_semaphore, #tpu.memory_space<semaphore_mem>>) src(%arg10 : memref<100x128xf32, #tpu.memory_space<vmem>>) dst(%dma_wait3A_72 : memref<10240x128xf32, #tpu.memory_space<vmem_shared>>)
        tpu.yield
      }) : () -> ()
    }
    %scan3A_15 = arith.constant 50 : i32
    %dma_wait3A = arith.constant 99 : i32
    %dma_wait3A_16 = arith.constant 0 : i32
    %dma_wait3A_17 = tpu.memref_slice %arg7[%dma_wait3A, %dma_wait3A_16] : memref<100x100xi32, #tpu.memory_space<vmem>> -> memref<1x100xi32, #tpu.memory_space<vmem>>
    %dma_wait3A_18 = tpu.memref_squeeze %dma_wait3A_17 : memref<1x100xi32, #tpu.memory_space<vmem>> -> memref<100xi32, #tpu.memory_space<vmem>>
    %dma_wait3A_19 = arith.constant 0 : i32
    %dma_wait3A_20 = arith.constant 0 : i32
    %dma_wait3A_21 = tpu.memref_slice %arg4[%dma_wait3A_19, %dma_wait3A_20] : memref<10000x128xf32, #tpu.memory_space<hbm>> -> memref<10000x128xf32, #tpu.memory_space<hbm>>
    tpu.wait_indirect_dma semaphore(%arg12 : memref<!tpu.dma_semaphore, #tpu.memory_space<semaphore_mem>>) src(%dma_wait3A_21 : memref<10000x128xf32, #tpu.memory_space<hbm>>) dst(%arg9 : memref<100x128xf32, #tpu.memory_space<vmem>>)
    %barrier3A_22 = arith.constant 0 : index
    tpu.barrier barrier_id(%barrier3A_22)
    %mul3A_23 = arith.constant 640 : i32
    %mul3A_24 = arith.muli %arg1, %mul3A_23 : i32
    %mul3A_25 = arith.constant 640 : i32
    %mul3A_26 = arith.muli %arg1, %mul3A_25 : i32
    "tpu.region"() ({
      %run_scoped3A = tpu.sem_alloc : memref<!tpu.dma_semaphore, #tpu.memory_space<semaphore_mem>>
      %dma_start3A_27 = arith.constant 0 : i32
      %dma_start3A_28 = tpu.memref_slice %arg6[%arg0, %mul3A_26, %dma_start3A_27] : memref<2x10240x128xf32, #tpu.memory_space<hbm>> -> memref<1x640x128xf32, #tpu.memory_space<hbm>>
      %dma_start3A_29 = tpu.memref_squeeze %dma_start3A_28 : memref<1x640x128xf32, #tpu.memory_space<hbm>> -> memref<640x128xf32, #tpu.memory_space<hbm>>
      %dma_start3A_30 = arith.constant 0 : i32
      %dma_start3A_31 = tpu.memref_slice %arg11[%mul3A_24, %dma_start3A_30] : memref<10240x128xf32, #tpu.memory_space<vmem_shared>> -> memref<640x128xf32, #tpu.memory_space<vmem_shared>>
      tpu.enqueue_dma source(%dma_start3A_31 : memref<640x128xf32, #tpu.memory_space<vmem_shared>>) target(%dma_start3A_29 : memref<640x128xf32, #tpu.memory_space<hbm>>) target_semaphore(%run_scoped3A : memref<!tpu.dma_semaphore, #tpu.memory_space<semaphore_mem>>)
      %dma_wait3A_32 = arith.constant 0 : i32
      %dma_wait3A_33 = tpu.memref_slice %arg6[%arg0, %mul3A_26, %dma_wait3A_32] : memref<2x10240x128xf32, #tpu.memory_space<hbm>> -> memref<1x640x128xf32, #tpu.memory_space<hbm>>
      %dma_wait3A_34 = tpu.memref_squeeze %dma_wait3A_33 : memref<1x640x128xf32, #tpu.memory_space<hbm>> -> memref<640x128xf32, #tpu.memory_space<hbm>>
      %dma_wait3A_35 = arith.constant 0 : i32
      %dma_wait3A_36 = tpu.memref_slice %arg11[%mul3A_24, %dma_wait3A_35] : memref<10240x128xf32, #tpu.memory_space<vmem_shared>> -> memref<640x128xf32, #tpu.memory_space<vmem_shared>>
      tpu.wait_dma2 semaphore(%run_scoped3A : memref<!tpu.dma_semaphore, #tpu.memory_space<semaphore_mem>>) src(%dma_wait3A_36 : memref<640x128xf32, #tpu.memory_space<vmem_shared>>) dst(%dma_wait3A_34 : memref<640x128xf32, #tpu.memory_space<hbm>>)
      tpu.yield
    }) : () -> ()
    return
  }
}

#map = affine_map<(d0, d1) -> (0, 0, 0)>
#map1 = affine_map<(d0, d1) -> (0)>
module attributes {stable_mosaic.version = 14 : i64} {
  func.func @k(%arg0: i32, %arg1: i32, %arg2: memref<32x125x80xi32, #tpu.memory_space<hbm>>, %arg3: memref<32x125x80xi32, #tpu.memory_space<hbm>>, %arg4: memref<10000xf32, #tpu.memory_space<hbm>>, %arg5: memref<10240xf32, #tpu.memory_space<hbm>>, %arg6: memref<2x1x10240xf32, #tpu.memory_space<hbm>>, %arg7: memref<125x80xi32, #tpu.memory_space<vmem>>, %arg8: memref<125x80xi32, #tpu.memory_space<vmem>>, %arg9: memref<10000xf32, #tpu.memory_space<vmem>>, %arg10: memref<125x80xf32, #tpu.memory_space<vmem>>, %arg11: memref<10240xf32, #tpu.memory_space<vmem_shared>>, %arg12: memref<!tpu.dma_semaphore, #tpu.memory_space<semaphore_mem>>) attributes {dimension_semantics = [#tpu.dimension_semantics<core_parallel>, #tpu.dimension_semantics<subcore_parallel>], iteration_bounds = array<i64: 2, 16>, scalar_prefetch = 0 : i64, scratch_operands = 6 : i64, tpu.core_type = #tpu.core_type<sc_vector_subcore>, window_params = [{transform_indices = #map}, {transform_indices = #map}, {transform_indices = #map1}, {transform_indices = #map1}, {transform_indices = #map}]} {
    %mul3A = arith.constant 16 : i32
    %mul3A_0 = arith.muli %arg0, %mul3A : i32
    %add3A = arith.addi %mul3A_0, %arg1 : i32
    %mul3A_1 = arith.constant 640 : i32
    %mul3A_2 = arith.muli %arg1, %mul3A_1 : i32
    %mul3A_3 = arith.constant 640 : i32
    %mul3A_4 = arith.muli %arg1, %mul3A_3 : i32
    "tpu.region"() ({
      %run_scoped3A_21 = tpu.sem_alloc : memref<!tpu.dma_semaphore, #tpu.memory_space<semaphore_mem>>
      %dma_start3A = tpu.memref_slice %arg11[%mul3A_4] : memref<10240xf32, #tpu.memory_space<vmem_shared>> -> memref<640xf32, #tpu.memory_space<vmem_shared>>
      %dma_start3A_22 = tpu.memref_slice %arg5[%mul3A_2] : memref<10240xf32, #tpu.memory_space<hbm>> -> memref<640xf32, #tpu.memory_space<hbm>>
      tpu.enqueue_dma source(%dma_start3A_22 : memref<640xf32, #tpu.memory_space<hbm>>) target(%dma_start3A : memref<640xf32, #tpu.memory_space<vmem_shared>>) target_semaphore(%run_scoped3A_21 : memref<!tpu.dma_semaphore, #tpu.memory_space<semaphore_mem>>)
      %dma_wait3A = tpu.memref_slice %arg11[%mul3A_4] : memref<10240xf32, #tpu.memory_space<vmem_shared>> -> memref<640xf32, #tpu.memory_space<vmem_shared>>
      %dma_wait3A_23 = tpu.memref_slice %arg5[%mul3A_2] : memref<10240xf32, #tpu.memory_space<hbm>> -> memref<640xf32, #tpu.memory_space<hbm>>
      tpu.wait_dma2 semaphore(%run_scoped3A_21 : memref<!tpu.dma_semaphore, #tpu.memory_space<semaphore_mem>>) src(%dma_wait3A_23 : memref<640xf32, #tpu.memory_space<hbm>>) dst(%dma_wait3A : memref<640xf32, #tpu.memory_space<vmem_shared>>)
      tpu.yield
    }) : () -> ()
    "tpu.region"() ({
      %run_scoped3A_21 = tpu.sem_alloc : memref<!tpu.dma_semaphore, #tpu.memory_space<semaphore_mem>>
      %dma_start3A = arith.constant 0 : i32
      %dma_start3A_22 = arith.constant 0 : i32
      %dma_start3A_23 = tpu.memref_slice %arg3[%add3A, %dma_start3A, %dma_start3A_22] : memref<32x125x80xi32, #tpu.memory_space<hbm>> -> memref<1x125x80xi32, #tpu.memory_space<hbm>>
      %dma_start3A_24 = tpu.memref_squeeze %dma_start3A_23 : memref<1x125x80xi32, #tpu.memory_space<hbm>> -> memref<125x80xi32, #tpu.memory_space<hbm>>
      %dma_start3A_25 = arith.constant 0 : i32
      %dma_start3A_26 = arith.constant 0 : i32
      %dma_start3A_27 = tpu.memref_slice %arg3[%add3A, %dma_start3A_25, %dma_start3A_26] : memref<32x125x80xi32, #tpu.memory_space<hbm>> -> memref<1x125x80xi32, #tpu.memory_space<hbm>>
      %dma_start3A_28 = tpu.memref_squeeze %dma_start3A_27 : memref<1x125x80xi32, #tpu.memory_space<hbm>> -> memref<125x80xi32, #tpu.memory_space<hbm>>
      tpu.enqueue_dma source(%dma_start3A_28 : memref<125x80xi32, #tpu.memory_space<hbm>>) target(%arg8 : memref<125x80xi32, #tpu.memory_space<vmem>>) target_semaphore(%run_scoped3A_21 : memref<!tpu.dma_semaphore, #tpu.memory_space<semaphore_mem>>)
      %dma_wait3A = arith.constant 0 : i32
      %dma_wait3A_29 = arith.constant 0 : i32
      %dma_wait3A_30 = tpu.memref_slice %arg3[%add3A, %dma_wait3A, %dma_wait3A_29] : memref<32x125x80xi32, #tpu.memory_space<hbm>> -> memref<1x125x80xi32, #tpu.memory_space<hbm>>
      %dma_wait3A_31 = tpu.memref_squeeze %dma_wait3A_30 : memref<1x125x80xi32, #tpu.memory_space<hbm>> -> memref<125x80xi32, #tpu.memory_space<hbm>>
      %dma_wait3A_32 = arith.constant 0 : i32
      %dma_wait3A_33 = arith.constant 0 : i32
      %dma_wait3A_34 = tpu.memref_slice %arg3[%add3A, %dma_wait3A_32, %dma_wait3A_33] : memref<32x125x80xi32, #tpu.memory_space<hbm>> -> memref<1x125x80xi32, #tpu.memory_space<hbm>>
      %dma_wait3A_35 = tpu.memref_squeeze %dma_wait3A_34 : memref<1x125x80xi32, #tpu.memory_space<hbm>> -> memref<125x80xi32, #tpu.memory_space<hbm>>
      tpu.wait_dma2 semaphore(%run_scoped3A_21 : memref<!tpu.dma_semaphore, #tpu.memory_space<semaphore_mem>>) src(%dma_wait3A_35 : memref<125x80xi32, #tpu.memory_space<hbm>>) dst(%arg8 : memref<125x80xi32, #tpu.memory_space<vmem>>)
      tpu.yield
    }) : () -> ()
    "tpu.region"() ({
      %run_scoped3A_21 = tpu.sem_alloc : memref<!tpu.dma_semaphore, #tpu.memory_space<semaphore_mem>>
      tpu.enqueue_dma source(%arg4 : memref<10000xf32, #tpu.memory_space<hbm>>) target(%arg9 : memref<10000xf32, #tpu.memory_space<vmem>>) target_semaphore(%run_scoped3A_21 : memref<!tpu.dma_semaphore, #tpu.memory_space<semaphore_mem>>)
      tpu.wait_dma2 semaphore(%run_scoped3A_21 : memref<!tpu.dma_semaphore, #tpu.memory_space<semaphore_mem>>) src(%arg4 : memref<10000xf32, #tpu.memory_space<hbm>>) dst(%arg9 : memref<10000xf32, #tpu.memory_space<vmem>>)
      tpu.yield
    }) : () -> ()
    "tpu.region"() ({
      %run_scoped3A_21 = tpu.sem_alloc : memref<!tpu.dma_semaphore, #tpu.memory_space<semaphore_mem>>
      %dma_start3A = arith.constant 0 : i32
      %dma_start3A_22 = arith.constant 0 : i32
      %dma_start3A_23 = tpu.memref_slice %arg2[%add3A, %dma_start3A, %dma_start3A_22] : memref<32x125x80xi32, #tpu.memory_space<hbm>> -> memref<1x125x80xi32, #tpu.memory_space<hbm>>
      %dma_start3A_24 = tpu.memref_squeeze %dma_start3A_23 : memref<1x125x80xi32, #tpu.memory_space<hbm>> -> memref<125x80xi32, #tpu.memory_space<hbm>>
      %dma_start3A_25 = arith.constant 0 : i32
      %dma_start3A_26 = arith.constant 0 : i32
      %dma_start3A_27 = tpu.memref_slice %arg2[%add3A, %dma_start3A_25, %dma_start3A_26] : memref<32x125x80xi32, #tpu.memory_space<hbm>> -> memref<1x125x80xi32, #tpu.memory_space<hbm>>
      %dma_start3A_28 = tpu.memref_squeeze %dma_start3A_27 : memref<1x125x80xi32, #tpu.memory_space<hbm>> -> memref<125x80xi32, #tpu.memory_space<hbm>>
      tpu.enqueue_dma source(%dma_start3A_28 : memref<125x80xi32, #tpu.memory_space<hbm>>) target(%arg7 : memref<125x80xi32, #tpu.memory_space<vmem>>) target_semaphore(%run_scoped3A_21 : memref<!tpu.dma_semaphore, #tpu.memory_space<semaphore_mem>>)
      %dma_wait3A = arith.constant 0 : i32
      %dma_wait3A_29 = arith.constant 0 : i32
      %dma_wait3A_30 = tpu.memref_slice %arg2[%add3A, %dma_wait3A, %dma_wait3A_29] : memref<32x125x80xi32, #tpu.memory_space<hbm>> -> memref<1x125x80xi32, #tpu.memory_space<hbm>>
      %dma_wait3A_31 = tpu.memref_squeeze %dma_wait3A_30 : memref<1x125x80xi32, #tpu.memory_space<hbm>> -> memref<125x80xi32, #tpu.memory_space<hbm>>
      %dma_wait3A_32 = arith.constant 0 : i32
      %dma_wait3A_33 = arith.constant 0 : i32
      %dma_wait3A_34 = tpu.memref_slice %arg2[%add3A, %dma_wait3A_32, %dma_wait3A_33] : memref<32x125x80xi32, #tpu.memory_space<hbm>> -> memref<1x125x80xi32, #tpu.memory_space<hbm>>
      %dma_wait3A_35 = tpu.memref_squeeze %dma_wait3A_34 : memref<1x125x80xi32, #tpu.memory_space<hbm>> -> memref<125x80xi32, #tpu.memory_space<hbm>>
      tpu.wait_dma2 semaphore(%run_scoped3A_21 : memref<!tpu.dma_semaphore, #tpu.memory_space<semaphore_mem>>) src(%dma_wait3A_35 : memref<125x80xi32, #tpu.memory_space<hbm>>) dst(%arg7 : memref<125x80xi32, #tpu.memory_space<vmem>>)
      tpu.yield
    }) : () -> ()
    %scan3A = arith.constant 0 : i32
    %scan3A_5 = arith.constant 0 : i32
    %scan3A_6 = arith.constant 125 : i32
    %scan3A_7 = arith.addi %scan3A_5, %scan3A_6 : i32
    %scan3A_8 = arith.constant 1 : i32
    scf.for %scan3A_21 = %scan3A_5 to %scan3A_7 step %scan3A_8  : i32 {
      %get3A = arith.index_cast %scan3A_21 : i32 to index
      %get3A_22 = arith.constant 0 : index
      %get3A_23 = tpu.vector_load %arg7[%get3A, %get3A_22] {strides = array<i32>} : memref<125x80xi32, #tpu.memory_space<vmem>>, vector<16xi32>,
      %gather3A = tpu.vector_load_idx %arg9[%get3A_23] : memref<10000xf32, #tpu.memory_space<vmem>>[vector<16xi32>], vector<16xf32>,
      %swap3A = arith.index_cast %scan3A_21 : i32 to index
      %swap3A_24 = arith.constant 0 : index
      %swap3A_25 = tpu.vector_load %arg10[%swap3A, %swap3A_24] {strides = array<i32>} : memref<125x80xf32, #tpu.memory_space<vmem>>, vector<16xf32>,
      tpu.vector_store %arg10[%swap3A, %swap3A_24], %gather3A {strides = array<i32>} : memref<125x80xf32, #tpu.memory_space<vmem>>, vector<16xf32>,
      %get3A_26 = arith.index_cast %scan3A_21 : i32 to index
      %get3A_27 = arith.constant 16 : index
      %get3A_28 = tpu.vector_load %arg7[%get3A_26, %get3A_27] {strides = array<i32>} : memref<125x80xi32, #tpu.memory_space<vmem>>, vector<16xi32>,
      %gather3A_29 = tpu.vector_load_idx %arg9[%get3A_28] : memref<10000xf32, #tpu.memory_space<vmem>>[vector<16xi32>], vector<16xf32>,
      %swap3A_30 = arith.index_cast %scan3A_21 : i32 to index
      %swap3A_31 = arith.constant 16 : index
      %swap3A_32 = tpu.vector_load %arg10[%swap3A_30, %swap3A_31] {strides = array<i32>} : memref<125x80xf32, #tpu.memory_space<vmem>>, vector<16xf32>,
      tpu.vector_store %arg10[%swap3A_30, %swap3A_31], %gather3A_29 {strides = array<i32>} : memref<125x80xf32, #tpu.memory_space<vmem>>, vector<16xf32>,
      %get3A_33 = arith.index_cast %scan3A_21 : i32 to index
      %get3A_34 = arith.constant 32 : index
      %get3A_35 = tpu.vector_load %arg7[%get3A_33, %get3A_34] {strides = array<i32>} : memref<125x80xi32, #tpu.memory_space<vmem>>, vector<16xi32>,
      %gather3A_36 = tpu.vector_load_idx %arg9[%get3A_35] : memref<10000xf32, #tpu.memory_space<vmem>>[vector<16xi32>], vector<16xf32>,
      %swap3A_37 = arith.index_cast %scan3A_21 : i32 to index
      %swap3A_38 = arith.constant 32 : index
      %swap3A_39 = tpu.vector_load %arg10[%swap3A_37, %swap3A_38] {strides = array<i32>} : memref<125x80xf32, #tpu.memory_space<vmem>>, vector<16xf32>,
      tpu.vector_store %arg10[%swap3A_37, %swap3A_38], %gather3A_36 {strides = array<i32>} : memref<125x80xf32, #tpu.memory_space<vmem>>, vector<16xf32>,
      %get3A_40 = arith.index_cast %scan3A_21 : i32 to index
      %get3A_41 = arith.constant 48 : index
      %get3A_42 = tpu.vector_load %arg7[%get3A_40, %get3A_41] {strides = array<i32>} : memref<125x80xi32, #tpu.memory_space<vmem>>, vector<16xi32>,
      %gather3A_43 = tpu.vector_load_idx %arg9[%get3A_42] : memref<10000xf32, #tpu.memory_space<vmem>>[vector<16xi32>], vector<16xf32>,
      %swap3A_44 = arith.index_cast %scan3A_21 : i32 to index
      %swap3A_45 = arith.constant 48 : index
      %swap3A_46 = tpu.vector_load %arg10[%swap3A_44, %swap3A_45] {strides = array<i32>} : memref<125x80xf32, #tpu.memory_space<vmem>>, vector<16xf32>,
      tpu.vector_store %arg10[%swap3A_44, %swap3A_45], %gather3A_43 {strides = array<i32>} : memref<125x80xf32, #tpu.memory_space<vmem>>, vector<16xf32>,
      %get3A_47 = arith.index_cast %scan3A_21 : i32 to index
      %get3A_48 = arith.constant 64 : index
      %get3A_49 = tpu.vector_load %arg7[%get3A_47, %get3A_48] {strides = array<i32>} : memref<125x80xi32, #tpu.memory_space<vmem>>, vector<16xi32>,
      %gather3A_50 = tpu.vector_load_idx %arg9[%get3A_49] : memref<10000xf32, #tpu.memory_space<vmem>>[vector<16xi32>], vector<16xf32>,
      %swap3A_51 = arith.index_cast %scan3A_21 : i32 to index
      %swap3A_52 = arith.constant 64 : index
      %swap3A_53 = tpu.vector_load %arg10[%swap3A_51, %swap3A_52] {strides = array<i32>} : memref<125x80xf32, #tpu.memory_space<vmem>>, vector<16xf32>,
      tpu.vector_store %arg10[%swap3A_51, %swap3A_52], %gather3A_50 {strides = array<i32>} : memref<125x80xf32, #tpu.memory_space<vmem>>, vector<16xf32>,
    }
    %scan3A_9 = arith.constant 125 : i32
    %barrier3A = arith.constant 0 : index
    tpu.barrier barrier_id(%barrier3A)
    %scan3A_10 = arith.constant 0 : i32
    %scan3A_11 = arith.constant 0 : i32
    %scan3A_12 = arith.constant 125 : i32
    %scan3A_13 = arith.addi %scan3A_11, %scan3A_12 : i32
    %scan3A_14 = arith.constant 1 : i32
    scf.for %scan3A_21 = %scan3A_11 to %scan3A_13 step %scan3A_14  : i32 {
      "tpu.region"() ({
        %run_scoped3A_22 = tpu.sem_alloc : memref<!tpu.dma_semaphore, #tpu.memory_space<semaphore_mem>>
        %dma_start3A = arith.constant 0 : i32
        %dma_start3A_23 = tpu.memref_slice %arg10[%scan3A_21, %dma_start3A] : memref<125x80xf32, #tpu.memory_space<vmem>> -> memref<1x80xf32, #tpu.memory_space<vmem>>
        %dma_start3A_24 = tpu.memref_squeeze %dma_start3A_23 : memref<1x80xf32, #tpu.memory_space<vmem>> -> memref<80xf32, #tpu.memory_space<vmem>>
        %dma_start3A_25 = arith.constant 0 : i32
        %dma_start3A_26 = tpu.memref_slice %arg8[%scan3A_21, %dma_start3A_25] : memref<125x80xi32, #tpu.memory_space<vmem>> -> memref<1x80xi32, #tpu.memory_space<vmem>>
        %dma_start3A_27 = tpu.memref_squeeze %dma_start3A_26 : memref<1x80xi32, #tpu.memory_space<vmem>> -> memref<80xi32, #tpu.memory_space<vmem>>
        %dma_start3A_28 = arith.constant 0 : i32
        %dma_start3A_29 = tpu.memref_slice %arg11[%dma_start3A_28] : memref<10240xf32, #tpu.memory_space<vmem_shared>> -> memref<10240xf32, #tpu.memory_space<vmem_shared>>
        tpu.enqueue_indirect_dma source(%dma_start3A_24 : memref<80xf32, #tpu.memory_space<vmem>>) target(%dma_start3A_29 : memref<10240xf32, #tpu.memory_space<vmem_shared>>) offsets(%dma_start3A_27 : memref<80xi32, #tpu.memory_space<vmem>>) semaphore(%run_scoped3A_22 : memref<!tpu.dma_semaphore, #tpu.memory_space<semaphore_mem>>) {add = true}
        %dma_wait3A = arith.constant 0 : i32
        %dma_wait3A_30 = tpu.memref_slice %arg10[%scan3A_21, %dma_wait3A] : memref<125x80xf32, #tpu.memory_space<vmem>> -> memref<1x80xf32, #tpu.memory_space<vmem>>
        %dma_wait3A_31 = tpu.memref_squeeze %dma_wait3A_30 : memref<1x80xf32, #tpu.memory_space<vmem>> -> memref<80xf32, #tpu.memory_space<vmem>>
        %dma_wait3A_32 = arith.constant 0 : i32
        %dma_wait3A_33 = tpu.memref_slice %arg8[%scan3A_21, %dma_wait3A_32] : memref<125x80xi32, #tpu.memory_space<vmem>> -> memref<1x80xi32, #tpu.memory_space<vmem>>
        %dma_wait3A_34 = tpu.memref_squeeze %dma_wait3A_33 : memref<1x80xi32, #tpu.memory_space<vmem>> -> memref<80xi32, #tpu.memory_space<vmem>>
        %dma_wait3A_35 = arith.constant 0 : i32
        %dma_wait3A_36 = tpu.memref_slice %arg11[%dma_wait3A_35] : memref<10240xf32, #tpu.memory_space<vmem_shared>> -> memref<10240xf32, #tpu.memory_space<vmem_shared>>
        tpu.wait_indirect_dma semaphore(%run_scoped3A_22 : memref<!tpu.dma_semaphore, #tpu.memory_space<semaphore_mem>>) src(%dma_wait3A_31 : memref<80xf32, #tpu.memory_space<vmem>>) dst(%dma_wait3A_36 : memref<10240xf32, #tpu.memory_space<vmem_shared>>)
        tpu.yield
      }) : () -> ()
    }
    %scan3A_15 = arith.constant 125 : i32
    %barrier3A_16 = arith.constant 0 : index
    tpu.barrier barrier_id(%barrier3A_16)
    %mul3A_17 = arith.constant 640 : i32
    %mul3A_18 = arith.muli %arg1, %mul3A_17 : i32
    %mul3A_19 = arith.constant 640 : i32
    %mul3A_20 = arith.muli %arg1, %mul3A_19 : i32
    %run_scoped3A = arith.constant 0 : i32
    "tpu.region"() ({
      %run_scoped3A_21 = tpu.sem_alloc : memref<!tpu.dma_semaphore, #tpu.memory_space<semaphore_mem>>
      %dma_start3A = tpu.memref_slice %arg6[%arg0, %run_scoped3A, %mul3A_20] : memref<2x1x10240xf32, #tpu.memory_space<hbm>> -> memref<1x1x640xf32, #tpu.memory_space<hbm>>
      %dma_start3A_22 = tpu.memref_squeeze %dma_start3A : memref<1x1x640xf32, #tpu.memory_space<hbm>> -> memref<640xf32, #tpu.memory_space<hbm>>
      %dma_start3A_23 = tpu.memref_slice %arg11[%mul3A_18] : memref<10240xf32, #tpu.memory_space<vmem_shared>> -> memref<640xf32, #tpu.memory_space<vmem_shared>>
      tpu.enqueue_dma source(%dma_start3A_23 : memref<640xf32, #tpu.memory_space<vmem_shared>>) target(%dma_start3A_22 : memref<640xf32, #tpu.memory_space<hbm>>) target_semaphore(%run_scoped3A_21 : memref<!tpu.dma_semaphore, #tpu.memory_space<semaphore_mem>>)
      %dma_wait3A = tpu.memref_slice %arg6[%arg0, %run_scoped3A, %mul3A_20] : memref<2x1x10240xf32, #tpu.memory_space<hbm>> -> memref<1x1x640xf32, #tpu.memory_space<hbm>>
      %dma_wait3A_24 = tpu.memref_squeeze %dma_wait3A : memref<1x1x640xf32, #tpu.memory_space<hbm>> -> memref<640xf32, #tpu.memory_space<hbm>>
      %dma_wait3A_25 = tpu.memref_slice %arg11[%mul3A_18] : memref<10240xf32, #tpu.memory_space<vmem_shared>> -> memref<640xf32, #tpu.memory_space<vmem_shared>>
      tpu.wait_dma2 semaphore(%run_scoped3A_21 : memref<!tpu.dma_semaphore, #tpu.memory_space<semaphore_mem>>) src(%dma_wait3A_25 : memref<640xf32, #tpu.memory_space<vmem_shared>>) dst(%dma_wait3A_24 : memref<640xf32, #tpu.memory_space<hbm>>)
      tpu.yield
    }) : () -> ()
    return
  }
}

#map = affine_map<(d0, d1) -> (0, 0, 0)>
#map1 = affine_map<(d0, d1) -> (0)>
module attributes {stable_mosaic.version = 14 : i64} {
  func.func @k(%arg0: i32, %arg1: i32, %arg2: memref<32x125x80xi32, #tpu.memory_space<hbm>>, %arg3: memref<32x125x80xi32, #tpu.memory_space<hbm>>, %arg4: memref<10000xf32, #tpu.memory_space<hbm>>, %arg5: memref<10240xf32, #tpu.memory_space<hbm>>, %arg6: memref<2x1x10240xf32, #tpu.memory_space<hbm>>, %arg7: memref<125x80xi32, #tpu.memory_space<vmem>>, %arg8: memref<125x80xi32, #tpu.memory_space<vmem>>, %arg9: memref<10000xf32, #tpu.memory_space<vmem>>, %arg10: memref<125x80xf32, #tpu.memory_space<vmem>>, %arg11: memref<10240xf32, #tpu.memory_space<vmem_shared>>, %arg12: memref<!tpu.dma_semaphore, #tpu.memory_space<semaphore_mem>>) attributes {dimension_semantics = [#tpu.dimension_semantics<core_parallel>, #tpu.dimension_semantics<subcore_parallel>], iteration_bounds = array<i64: 2, 16>, scalar_prefetch = 0 : i64, scratch_operands = 6 : i64, tpu.core_type = #tpu.core_type<sc_vector_subcore>, window_params = [{transform_indices = #map}, {transform_indices = #map}, {transform_indices = #map1}, {transform_indices = #map1}, {transform_indices = #map}]} {
    %mul3A = arith.constant 16 : i32
    %mul3A_0 = arith.muli %arg0, %mul3A : i32
    %add3A = arith.addi %mul3A_0, %arg1 : i32
    %mul3A_1 = arith.constant 640 : i32
    %mul3A_2 = arith.muli %arg1, %mul3A_1 : i32
    %mul3A_3 = arith.constant 640 : i32
    %mul3A_4 = arith.muli %arg1, %mul3A_3 : i32
    "tpu.region"() ({
      %run_scoped3A_35 = tpu.sem_alloc : memref<!tpu.dma_semaphore, #tpu.memory_space<semaphore_mem>>
      %dma_start3A = tpu.memref_slice %arg11[%mul3A_4] : memref<10240xf32, #tpu.memory_space<vmem_shared>> -> memref<640xf32, #tpu.memory_space<vmem_shared>>
      %dma_start3A_36 = tpu.memref_slice %arg5[%mul3A_2] : memref<10240xf32, #tpu.memory_space<hbm>> -> memref<640xf32, #tpu.memory_space<hbm>>
      tpu.enqueue_dma source(%dma_start3A_36 : memref<640xf32, #tpu.memory_space<hbm>>) target(%dma_start3A : memref<640xf32, #tpu.memory_space<vmem_shared>>) target_semaphore(%run_scoped3A_35 : memref<!tpu.dma_semaphore, #tpu.memory_space<semaphore_mem>>)
      %dma_wait3A = tpu.memref_slice %arg11[%mul3A_4] : memref<10240xf32, #tpu.memory_space<vmem_shared>> -> memref<640xf32, #tpu.memory_space<vmem_shared>>
      %dma_wait3A_37 = tpu.memref_slice %arg5[%mul3A_2] : memref<10240xf32, #tpu.memory_space<hbm>> -> memref<640xf32, #tpu.memory_space<hbm>>
      tpu.wait_dma2 semaphore(%run_scoped3A_35 : memref<!tpu.dma_semaphore, #tpu.memory_space<semaphore_mem>>) src(%dma_wait3A_37 : memref<640xf32, #tpu.memory_space<hbm>>) dst(%dma_wait3A : memref<640xf32, #tpu.memory_space<vmem_shared>>)
      tpu.yield
    }) : () -> ()
    "tpu.region"() ({
      %run_scoped3A_35 = tpu.sem_alloc : memref<!tpu.dma_semaphore, #tpu.memory_space<semaphore_mem>>
      %dma_start3A = arith.constant 0 : i32
      %dma_start3A_36 = arith.constant 0 : i32
      %dma_start3A_37 = tpu.memref_slice %arg3[%add3A, %dma_start3A, %dma_start3A_36] : memref<32x125x80xi32, #tpu.memory_space<hbm>> -> memref<1x125x80xi32, #tpu.memory_space<hbm>>
      %dma_start3A_38 = tpu.memref_squeeze %dma_start3A_37 : memref<1x125x80xi32, #tpu.memory_space<hbm>> -> memref<125x80xi32, #tpu.memory_space<hbm>>
      %dma_start3A_39 = arith.constant 0 : i32
      %dma_start3A_40 = arith.constant 0 : i32
      %dma_start3A_41 = tpu.memref_slice %arg3[%add3A, %dma_start3A_39, %dma_start3A_40] : memref<32x125x80xi32, #tpu.memory_space<hbm>> -> memref<1x125x80xi32, #tpu.memory_space<hbm>>
      %dma_start3A_42 = tpu.memref_squeeze %dma_start3A_41 : memref<1x125x80xi32, #tpu.memory_space<hbm>> -> memref<125x80xi32, #tpu.memory_space<hbm>>
      tpu.enqueue_dma source(%dma_start3A_42 : memref<125x80xi32, #tpu.memory_space<hbm>>) target(%arg8 : memref<125x80xi32, #tpu.memory_space<vmem>>) target_semaphore(%run_scoped3A_35 : memref<!tpu.dma_semaphore, #tpu.memory_space<semaphore_mem>>)
      %dma_wait3A = arith.constant 0 : i32
      %dma_wait3A_43 = arith.constant 0 : i32
      %dma_wait3A_44 = tpu.memref_slice %arg3[%add3A, %dma_wait3A, %dma_wait3A_43] : memref<32x125x80xi32, #tpu.memory_space<hbm>> -> memref<1x125x80xi32, #tpu.memory_space<hbm>>
      %dma_wait3A_45 = tpu.memref_squeeze %dma_wait3A_44 : memref<1x125x80xi32, #tpu.memory_space<hbm>> -> memref<125x80xi32, #tpu.memory_space<hbm>>
      %dma_wait3A_46 = arith.constant 0 : i32
      %dma_wait3A_47 = arith.constant 0 : i32
      %dma_wait3A_48 = tpu.memref_slice %arg3[%add3A, %dma_wait3A_46, %dma_wait3A_47] : memref<32x125x80xi32, #tpu.memory_space<hbm>> -> memref<1x125x80xi32, #tpu.memory_space<hbm>>
      %dma_wait3A_49 = tpu.memref_squeeze %dma_wait3A_48 : memref<1x125x80xi32, #tpu.memory_space<hbm>> -> memref<125x80xi32, #tpu.memory_space<hbm>>
      tpu.wait_dma2 semaphore(%run_scoped3A_35 : memref<!tpu.dma_semaphore, #tpu.memory_space<semaphore_mem>>) src(%dma_wait3A_49 : memref<125x80xi32, #tpu.memory_space<hbm>>) dst(%arg8 : memref<125x80xi32, #tpu.memory_space<vmem>>)
      tpu.yield
    }) : () -> ()
    %broadcast_in_dim3A = arith.constant 1.000000e+00 : f32
    %broadcast_in_dim3A_5 = vector.broadcast %broadcast_in_dim3A : f32 to vector<16xf32>
    %swap3A = arith.constant 0 : i32
    %swap3A_6 = arith.index_cast %swap3A : i32 to index
    %swap3A_7 = arith.constant 0 : index
    %swap3A_8 = tpu.vector_load %arg10[%swap3A_6, %swap3A_7] {strides = array<i32>} : memref<125x80xf32, #tpu.memory_space<vmem>>, vector<16xf32>,
    tpu.vector_store %arg10[%swap3A_6, %swap3A_7], %broadcast_in_dim3A_5 {strides = array<i32>} : memref<125x80xf32, #tpu.memory_space<vmem>>, vector<16xf32>,
    %swap3A_9 = arith.constant 0 : i32
    %swap3A_10 = arith.index_cast %swap3A_9 : i32 to index
    %swap3A_11 = arith.constant 16 : index
    %swap3A_12 = tpu.vector_load %arg10[%swap3A_10, %swap3A_11] {strides = array<i32>} : memref<125x80xf32, #tpu.memory_space<vmem>>, vector<16xf32>,
    tpu.vector_store %arg10[%swap3A_10, %swap3A_11], %broadcast_in_dim3A_5 {strides = array<i32>} : memref<125x80xf32, #tpu.memory_space<vmem>>, vector<16xf32>,
    %swap3A_13 = arith.constant 0 : i32
    %swap3A_14 = arith.index_cast %swap3A_13 : i32 to index
    %swap3A_15 = arith.constant 32 : index
    %swap3A_16 = tpu.vector_load %arg10[%swap3A_14, %swap3A_15] {strides = array<i32>} : memref<125x80xf32, #tpu.memory_space<vmem>>, vector<16xf32>,
    tpu.vector_store %arg10[%swap3A_14, %swap3A_15], %broadcast_in_dim3A_5 {strides = array<i32>} : memref<125x80xf32, #tpu.memory_space<vmem>>, vector<16xf32>,
    %swap3A_17 = arith.constant 0 : i32
    %swap3A_18 = arith.index_cast %swap3A_17 : i32 to index
    %swap3A_19 = arith.constant 48 : index
    %swap3A_20 = tpu.vector_load %arg10[%swap3A_18, %swap3A_19] {strides = array<i32>} : memref<125x80xf32, #tpu.memory_space<vmem>>, vector<16xf32>,
    tpu.vector_store %arg10[%swap3A_18, %swap3A_19], %broadcast_in_dim3A_5 {strides = array<i32>} : memref<125x80xf32, #tpu.memory_space<vmem>>, vector<16xf32>,
    %swap3A_21 = arith.constant 0 : i32
    %swap3A_22 = arith.index_cast %swap3A_21 : i32 to index
    %swap3A_23 = arith.constant 64 : index
    %swap3A_24 = tpu.vector_load %arg10[%swap3A_22, %swap3A_23] {strides = array<i32>} : memref<125x80xf32, #tpu.memory_space<vmem>>, vector<16xf32>,
    tpu.vector_store %arg10[%swap3A_22, %swap3A_23], %broadcast_in_dim3A_5 {strides = array<i32>} : memref<125x80xf32, #tpu.memory_space<vmem>>, vector<16xf32>,
    %barrier3A = arith.constant 0 : index
    tpu.barrier barrier_id(%barrier3A)
    %scan3A = arith.constant 0 : i32
    %scan3A_25 = arith.constant 0 : i32
    %scan3A_26 = arith.constant 125 : i32
    %scan3A_27 = arith.addi %scan3A_25, %scan3A_26 : i32
    %scan3A_28 = arith.constant 1 : i32
    scf.for %scan3A_35 = %scan3A_25 to %scan3A_27 step %scan3A_28  : i32 {
      %run_scoped3A_36 = arith.constant 0 : i32
      "tpu.region"() ({
        %run_scoped3A_37 = tpu.sem_alloc : memref<!tpu.dma_semaphore, #tpu.memory_space<semaphore_mem>>
        %dma_start3A = arith.constant 0 : i32
        %dma_start3A_38 = tpu.memref_slice %arg10[%run_scoped3A_36, %dma_start3A] : memref<125x80xf32, #tpu.memory_space<vmem>> -> memref<1x80xf32, #tpu.memory_space<vmem>>
        %dma_start3A_39 = tpu.memref_squeeze %dma_start3A_38 : memref<1x80xf32, #tpu.memory_space<vmem>> -> memref<80xf32, #tpu.memory_space<vmem>>
        %dma_start3A_40 = arith.constant 0 : i32
        %dma_start3A_41 = tpu.memref_slice %arg8[%scan3A_35, %dma_start3A_40] : memref<125x80xi32, #tpu.memory_space<vmem>> -> memref<1x80xi32, #tpu.memory_space<vmem>>
        %dma_start3A_42 = tpu.memref_squeeze %dma_start3A_41 : memref<1x80xi32, #tpu.memory_space<vmem>> -> memref<80xi32, #tpu.memory_space<vmem>>
        %dma_start3A_43 = arith.constant 0 : i32
        %dma_start3A_44 = tpu.memref_slice %arg11[%dma_start3A_43] : memref<10240xf32, #tpu.memory_space<vmem_shared>> -> memref<10240xf32, #tpu.memory_space<vmem_shared>>
        tpu.enqueue_indirect_dma source(%dma_start3A_39 : memref<80xf32, #tpu.memory_space<vmem>>) target(%dma_start3A_44 : memref<10240xf32, #tpu.memory_space<vmem_shared>>) offsets(%dma_start3A_42 : memref<80xi32, #tpu.memory_space<vmem>>) semaphore(%run_scoped3A_37 : memref<!tpu.dma_semaphore, #tpu.memory_space<semaphore_mem>>) {add = true}
        %dma_wait3A = arith.constant 0 : i32
        %dma_wait3A_45 = tpu.memref_slice %arg10[%run_scoped3A_36, %dma_wait3A] : memref<125x80xf32, #tpu.memory_space<vmem>> -> memref<1x80xf32, #tpu.memory_space<vmem>>
        %dma_wait3A_46 = tpu.memref_squeeze %dma_wait3A_45 : memref<1x80xf32, #tpu.memory_space<vmem>> -> memref<80xf32, #tpu.memory_space<vmem>>
        %dma_wait3A_47 = arith.constant 0 : i32
        %dma_wait3A_48 = tpu.memref_slice %arg8[%scan3A_35, %dma_wait3A_47] : memref<125x80xi32, #tpu.memory_space<vmem>> -> memref<1x80xi32, #tpu.memory_space<vmem>>
        %dma_wait3A_49 = tpu.memref_squeeze %dma_wait3A_48 : memref<1x80xi32, #tpu.memory_space<vmem>> -> memref<80xi32, #tpu.memory_space<vmem>>
        %dma_wait3A_50 = arith.constant 0 : i32
        %dma_wait3A_51 = tpu.memref_slice %arg11[%dma_wait3A_50] : memref<10240xf32, #tpu.memory_space<vmem_shared>> -> memref<10240xf32, #tpu.memory_space<vmem_shared>>
        tpu.wait_indirect_dma semaphore(%run_scoped3A_37 : memref<!tpu.dma_semaphore, #tpu.memory_space<semaphore_mem>>) src(%dma_wait3A_46 : memref<80xf32, #tpu.memory_space<vmem>>) dst(%dma_wait3A_51 : memref<10240xf32, #tpu.memory_space<vmem_shared>>)
        tpu.yield
      }) : () -> ()
    }
    %scan3A_29 = arith.constant 125 : i32
    %barrier3A_30 = arith.constant 0 : index
    tpu.barrier barrier_id(%barrier3A_30)
    %mul3A_31 = arith.constant 640 : i32
    %mul3A_32 = arith.muli %arg1, %mul3A_31 : i32
    %mul3A_33 = arith.constant 640 : i32
    %mul3A_34 = arith.muli %arg1, %mul3A_33 : i32
    %run_scoped3A = arith.constant 0 : i32
    "tpu.region"() ({
      %run_scoped3A_35 = tpu.sem_alloc : memref<!tpu.dma_semaphore, #tpu.memory_space<semaphore_mem>>
      %dma_start3A = tpu.memref_slice %arg6[%arg0, %run_scoped3A, %mul3A_34] : memref<2x1x10240xf32, #tpu.memory_space<hbm>> -> memref<1x1x640xf32, #tpu.memory_space<hbm>>
      %dma_start3A_36 = tpu.memref_squeeze %dma_start3A : memref<1x1x640xf32, #tpu.memory_space<hbm>> -> memref<640xf32, #tpu.memory_space<hbm>>
      %dma_start3A_37 = tpu.memref_slice %arg11[%mul3A_32] : memref<10240xf32, #tpu.memory_space<vmem_shared>> -> memref<640xf32, #tpu.memory_space<vmem_shared>>
      tpu.enqueue_dma source(%dma_start3A_37 : memref<640xf32, #tpu.memory_space<vmem_shared>>) target(%dma_start3A_36 : memref<640xf32, #tpu.memory_space<hbm>>) target_semaphore(%run_scoped3A_35 : memref<!tpu.dma_semaphore, #tpu.memory_space<semaphore_mem>>)
      %dma_wait3A = tpu.memref_slice %arg6[%arg0, %run_scoped3A, %mul3A_34] : memref<2x1x10240xf32, #tpu.memory_space<hbm>> -> memref<1x1x640xf32, #tpu.memory_space<hbm>>
      %dma_wait3A_38 = tpu.memref_squeeze %dma_wait3A : memref<1x1x640xf32, #tpu.memory_space<hbm>> -> memref<640xf32, #tpu.memory_space<hbm>>
      %dma_wait3A_39 = tpu.memref_slice %arg11[%mul3A_32] : memref<10240xf32, #tpu.memory_space<vmem_shared>> -> memref<640xf32, #tpu.memory_space<vmem_shared>>
      tpu.wait_dma2 semaphore(%run_scoped3A_35 : memref<!tpu.dma_semaphore, #tpu.memory_space<semaphore_mem>>) src(%dma_wait3A_39 : memref<640xf32, #tpu.memory_space<vmem_shared>>) dst(%dma_wait3A_38 : memref<640xf32, #tpu.memory_space<hbm>>)
      tpu.yield
    }) : () -> ()
    return
  }
}

module attributes {stable_mosaic.version = 14 : i64} {
  func.func @body(%arg0: i32, %arg1: memref<1000x128xf32, #tpu.memory_space<vmem>>, %arg2: memref<128x128xf32, #tpu.memory_space<vmem>>, %arg3: memref<1000x1xf32, #tpu.memory_space<vmem>>, %arg4: memref<1000x1xf32, #tpu.memory_space<vmem>>, %arg5: memref<1000x1xf32, #tpu.memory_space<vmem>>, %arg6: memref<1000x128xf32, #tpu.memory_space<vmem>>) attributes {dimension_semantics = [#tpu.dimension_semantics<arbitrary>], iteration_bounds = array<i64: 10>, scalar_prefetch = 0 : i64, scratch_operands = 0 : i64, tpu.core_type = #tpu.core_type<tc>, window_params = [{transform_indices = @transform_0, window_bounds = array<i64: 1000, 128>}, {pipeline_mode = #tpu.pipeline_mode<synchronous>, transform_indices = @transform_1, window_bounds = array<i64: 128, 128>}, {transform_indices = @transform_2, window_bounds = array<i64: 1000, 1>}, {transform_indices = @transform_3, window_bounds = array<i64: 1000, 1>}, {transform_indices = @transform_4, window_bounds = array<i64: 1000, 1>}, {transform_indices = @transform_5, window_bounds = array<i64: 1000, 128>}]} {
    %get3A = arith.constant 0 : index
    %get3A_0 = arith.constant 0 : index
    %get3A_1 = vector.load %arg3[%get3A, %get3A_0] : memref<1000x1xf32, #tpu.memory_space<vmem>>, vector<1000x1xf32>
    %get3A_2 = arith.constant 0 : index
    %get3A_3 = arith.constant 0 : index
    %get3A_4 = vector.load %arg4[%get3A_2, %get3A_3] : memref<1000x1xf32, #tpu.memory_space<vmem>>, vector<1000x1xf32>
    %add3A = arith.addf %get3A_1, %get3A_4 : vector<1000x1xf32>
    %add3A_5 = arith.constant 1.000000e+00 : f32
    %add3A_6 = vector.broadcast %add3A_5 : f32 to vector<1000x1xf32>
    %add3A_7 = arith.addf %add3A, %add3A_6 : vector<1000x1xf32>
    %gt3A = arith.constant 0.000000e+00 : f32
    %gt3A_8 = vector.broadcast %gt3A : f32 to vector<1000x1xf32>
    %gt3A_9 = arith.cmpf ogt, %add3A_7, %gt3A_8 : vector<1000x1xf32>
    %rsqrt3A = math.rsqrt %add3A_7 : vector<1000x1xf32>
    %jit3A = arith.constant 0.000000e+00 : f32
    %broadcast_in_dim3A = vector.broadcast %jit3A : f32 to vector<1000x1xf32>
    %select_n3A = arith.select %gt3A_9, %rsqrt3A, %broadcast_in_dim3A : vector<1000x1xi1>, vector<1000x1xf32>
    %swap3A = arith.constant 0 : index
    %swap3A_10 = arith.constant 0 : index
    %swap3A_11 = vector.load %arg5[%swap3A, %swap3A_10] : memref<1000x1xf32, #tpu.memory_space<vmem>>, vector<1000x1xf32>
    tpu.vector_store %arg5[%swap3A, %swap3A_10], %select_n3A {strides = array<i32>} : memref<1000x1xf32, #tpu.memory_space<vmem>>, vector<1000x1xf32>,
    %get3A_12 = arith.constant 0 : index
    %get3A_13 = arith.constant 0 : index
    %get3A_14 = vector.load %arg1[%get3A_12, %get3A_13] : memref<1000x128xf32, #tpu.memory_space<vmem>>, vector<1000x128xf32>
    %get3A_15 = arith.constant 0 : index
    %get3A_16 = arith.constant 0 : index
    %get3A_17 = vector.load %arg2[%get3A_15, %get3A_16] : memref<128x128xf32, #tpu.memory_space<vmem>>, vector<128x128xf32>
    %dot_general3A = arith.constant dense<0.000000e+00> : vector<1000x128xf32>
    %dot_general3A_18 = tpu.matmul %get3A_14, %get3A_17, %dot_general3A {dimension_numbers = #tpu.dot_dimension_numbers<[1], [0], [0], [1], [0, 0, 1, 1], [], []>, transpose_lhs_hint = false} : vector<1000x128xf32>, vector<128x128xf32>, vector<1000x128xf32> -> vector<1000x128xf32>
    %mul3A = vector.broadcast %select_n3A : vector<1000x1xf32> to vector<1000x128xf32>
    %mul3A_19 = arith.mulf %mul3A, %dot_general3A_18 : vector<1000x128xf32>
    %swap3A_20 = arith.constant 0 : index
    %swap3A_21 = arith.constant 0 : index
    %swap3A_22 = vector.load %arg6[%swap3A_20, %swap3A_21] : memref<1000x128xf32, #tpu.memory_space<vmem>>, vector<1000x128xf32>
    tpu.vector_store %arg6[%swap3A_20, %swap3A_21], %mul3A_19 {strides = array<i32>} : memref<1000x128xf32, #tpu.memory_space<vmem>>, vector<1000x128xf32>,
    return
  }
  func.func @transform_0(%arg0: i32) -> (i32, i32) {
    %c0_i32 = arith.constant 0 : i32
    %c0_i32_0 = arith.constant 0 : i32
    return %arg0, %c0_i32 : i32, i32
  }
  func.func @transform_1(%arg0: i32) -> (i32, i32) {
    %c0_i32 = arith.constant 0 : i32
    %c0_i32_0 = arith.constant 0 : i32
    %c0_i32_1 = arith.constant 0 : i32
    return %c0_i32, %c0_i32_0 : i32, i32
  }
  func.func @transform_2(%arg0: i32) -> (i32, i32) {
    %c0_i32 = arith.constant 0 : i32
    %c0_i32_0 = arith.constant 0 : i32
    return %arg0, %c0_i32 : i32, i32
  }
  func.func @transform_3(%arg0: i32) -> (i32, i32) {
    %c0_i32 = arith.constant 0 : i32
    %c0_i32_0 = arith.constant 0 : i32
    return %arg0, %c0_i32 : i32, i32
  }
  func.func @transform_4(%arg0: i32) -> (i32, i32) {
    %c0_i32 = arith.constant 0 : i32
    %c0_i32_0 = arith.constant 0 : i32
    return %arg0, %c0_i32 : i32, i32
  }
  func.func @transform_5(%arg0: i32) -> (i32, i32) {
    %c0_i32 = arith.constant 0 : i32
    %c0_i32_0 = arith.constant 0 : i32
    return %arg0, %c0_i32 : i32, i32
  }
}

module attributes {stable_mosaic.version = 14 : i64} {
  func.func @body(%arg0: i32, %arg1: memref<1000x128xf32, #tpu.memory_space<vmem>>, %arg2: memref<1000x128xf32, #tpu.memory_space<vmem>>, %arg3: memref<1000x128xf32, #tpu.memory_space<vmem>>, %arg4: memref<1000x1xf32, #tpu.memory_space<vmem>>, %arg5: memref<1x128xf32, #tpu.memory_space<vmem>>, %arg6: memref<128x1xf32, #tpu.memory_space<vmem>>, %arg7: memref<1000x1xf32, #tpu.memory_space<vmem>>) attributes {dimension_semantics = [#tpu.dimension_semantics<arbitrary>], iteration_bounds = array<i64: 10>, scalar_prefetch = 0 : i64, scratch_operands = 0 : i64, tpu.core_type = #tpu.core_type<tc>, window_params = [{transform_indices = @transform_0, window_bounds = array<i64: 1000, 128>}, {transform_indices = @transform_1, window_bounds = array<i64: 1000, 128>}, {transform_indices = @transform_2, window_bounds = array<i64: 1000, 128>}, {transform_indices = @transform_3, window_bounds = array<i64: 1000, 1>}, {pipeline_mode = #tpu.pipeline_mode<synchronous>, transform_indices = @transform_4, window_bounds = array<i64: 1, 128>}, {pipeline_mode = #tpu.pipeline_mode<synchronous>, transform_indices = @transform_5, window_bounds = array<i64: 128, 1>}, {transform_indices = @transform_6, window_bounds = array<i64: 1000, 1>}]} {
    %get3A = arith.constant 0 : index
    %get3A_0 = arith.constant 0 : index
    %get3A_1 = vector.load %arg4[%get3A, %get3A_0] : memref<1000x1xf32, #tpu.memory_space<vmem>>, vector<1000x1xf32>
    %get3A_2 = arith.constant 0 : index
    %get3A_3 = arith.constant 0 : index
    %get3A_4 = vector.load %arg1[%get3A_2, %get3A_3] : memref<1000x128xf32, #tpu.memory_space<vmem>>, vector<1000x128xf32>
    %get3A_5 = arith.constant 0 : index
    %get3A_6 = arith.constant 0 : index
    %get3A_7 = vector.load %arg2[%get3A_5, %get3A_6] : memref<1000x128xf32, #tpu.memory_space<vmem>>, vector<1000x128xf32>
    %add3A = arith.addf %get3A_4, %get3A_7 : vector<1000x128xf32>
    %get3A_8 = arith.constant 0 : index
    %get3A_9 = arith.constant 0 : index
    %get3A_10 = vector.load %arg3[%get3A_8, %get3A_9] : memref<1000x128xf32, #tpu.memory_space<vmem>>, vector<1000x128xf32>
    %add3A_11 = arith.addf %add3A, %get3A_10 : vector<1000x128xf32>
    %mul3A = vector.broadcast %get3A_1 : vector<1000x1xf32> to vector<1000x128xf32>
    %mul3A_12 = arith.mulf %mul3A, %add3A_11 : vector<1000x128xf32>
    %get3A_13 = arith.constant 0 : index
    %get3A_14 = arith.constant 0 : index
    %get3A_15 = vector.load %arg5[%get3A_13, %get3A_14] : memref<1x128xf32, #tpu.memory_space<vmem>>, vector<1x128xf32>
    %add3A_16 = vector.broadcast %get3A_15 : vector<1x128xf32> to vector<1000x128xf32>
    %add3A_17 = arith.addf %mul3A_12, %add3A_16 : vector<1000x128xf32>
    %max3A = arith.constant 0.000000e+00 : f32
    %max3A_18 = vector.broadcast %max3A : f32 to vector<1000x128xf32>
    %max3A_19 = arith.maximumf %add3A_17, %max3A_18 : vector<1000x128xf32>
    %get3A_20 = arith.constant 0 : index
    %get3A_21 = arith.constant 0 : index
    %get3A_22 = vector.load %arg6[%get3A_20, %get3A_21] : memref<128x1xf32, #tpu.memory_space<vmem>>, vector<128x1xf32>
    %dot_general3A = arith.constant dense<0.000000e+00> : vector<1000x1xf32>
    %dot_general3A_23 = tpu.matmul %max3A_19, %get3A_22, %dot_general3A {dimension_numbers = #tpu.dot_dimension_numbers<[1], [0], [0], [1], [0, 0, 1, 1], [], []>, transpose_lhs_hint = false} : vector<1000x128xf32>, vector<128x1xf32>, vector<1000x1xf32> -> vector<1000x1xf32>
    %mul3A_24 = arith.mulf %get3A_1, %dot_general3A_23 : vector<1000x1xf32>
    %swap3A = arith.constant 0 : index
    %swap3A_25 = arith.constant 0 : index
    %swap3A_26 = vector.load %arg7[%swap3A, %swap3A_25] : memref<1000x1xf32, #tpu.memory_space<vmem>>, vector<1000x1xf32>
    tpu.vector_store %arg7[%swap3A, %swap3A_25], %mul3A_24 {strides = array<i32>} : memref<1000x1xf32, #tpu.memory_space<vmem>>, vector<1000x1xf32>,
    return
  }
  func.func @transform_0(%arg0: i32) -> (i32, i32) {
    %c0_i32 = arith.constant 0 : i32
    %c0_i32_0 = arith.constant 0 : i32
    return %arg0, %c0_i32 : i32, i32
  }
  func.func @transform_1(%arg0: i32) -> (i32, i32) {
    %c0_i32 = arith.constant 0 : i32
    %c0_i32_0 = arith.constant 0 : i32
    return %arg0, %c0_i32 : i32, i32
  }
  func.func @transform_2(%arg0: i32) -> (i32, i32) {
    %c0_i32 = arith.constant 0 : i32
    %c0_i32_0 = arith.constant 0 : i32
    return %arg0, %c0_i32 : i32, i32
  }
  func.func @transform_3(%arg0: i32) -> (i32, i32) {
    %c0_i32 = arith.constant 0 : i32
    %c0_i32_0 = arith.constant 0 : i32
    return %arg0, %c0_i32 : i32, i32
  }
  func.func @transform_4(%arg0: i32) -> (i32, i32) {
    %c0_i32 = arith.constant 0 : i32
    %c0_i32_0 = arith.constant 0 : i32
    %c0_i32_1 = arith.constant 0 : i32
    return %c0_i32, %c0_i32_0 : i32, i32
  }
  func.func @transform_5(%arg0: i32) -> (i32, i32) {
    %c0_i32 = arith.constant 0 : i32
    %c0_i32_0 = arith.constant 0 : i32
    %c0_i32_1 = arith.constant 0 : i32
    return %c0_i32, %c0_i32_0 : i32, i32
  }
  func.func @transform_6(%arg0: i32) -> (i32, i32) {
    %c0_i32 = arith.constant 0 : i32
    %c0_i32_0 = arith.constant 0 : i32
    return %arg0, %c0_i32 : i32, i32
  }
}

module attributes {stable_mosaic.version = 14 : i64} {
  func.func @body(%arg0: i32, %arg1: memref<1000x1xf32, #tpu.memory_space<vmem>>, %arg2: memref<1000x1xf32, #tpu.memory_space<vmem>>, %arg3: memref<1000x1xf32, #tpu.memory_space<vmem>>, %arg4: memref<1000x1xf32, #tpu.memory_space<vmem>>, %arg5: memref<1x1xf32, #tpu.memory_space<vmem>>, %arg6: memref<1000x1xf32, #tpu.memory_space<vmem>>, %arg7: memref<1000x1xf32, #tpu.memory_space<vmem>>) attributes {dimension_semantics = [#tpu.dimension_semantics<arbitrary>], iteration_bounds = array<i64: 10>, scalar_prefetch = 0 : i64, scratch_operands = 0 : i64, tpu.core_type = #tpu.core_type<tc>, window_params = [{transform_indices = @transform_0, window_bounds = array<i64: 1000, 1>}, {transform_indices = @transform_1, window_bounds = array<i64: 1000, 1>}, {transform_indices = @transform_2, window_bounds = array<i64: 1000, 1>}, {transform_indices = @transform_3, window_bounds = array<i64: 1000, 1>}, {pipeline_mode = #tpu.pipeline_mode<synchronous>, transform_indices = @transform_4, window_bounds = array<i64: 1, 1>}, {transform_indices = @transform_5, window_bounds = array<i64: 1000, 1>}, {transform_indices = @transform_6, window_bounds = array<i64: 1000, 1>}]} {
    %get3A = arith.constant 0 : index
    %get3A_0 = arith.constant 0 : index
    %get3A_1 = vector.load %arg4[%get3A, %get3A_0] : memref<1000x1xf32, #tpu.memory_space<vmem>>, vector<1000x1xf32>
    %get3A_2 = arith.constant 0 : index
    %get3A_3 = arith.constant 0 : index
    %get3A_4 = vector.load %arg1[%get3A_2, %get3A_3] : memref<1000x1xf32, #tpu.memory_space<vmem>>, vector<1000x1xf32>
    %get3A_5 = arith.constant 0 : index
    %get3A_6 = arith.constant 0 : index
    %get3A_7 = vector.load %arg2[%get3A_5, %get3A_6] : memref<1000x1xf32, #tpu.memory_space<vmem>>, vector<1000x1xf32>
    %add3A = arith.addf %get3A_4, %get3A_7 : vector<1000x1xf32>
    %get3A_8 = arith.constant 0 : index
    %get3A_9 = arith.constant 0 : index
    %get3A_10 = vector.load %arg3[%get3A_8, %get3A_9] : memref<1000x1xf32, #tpu.memory_space<vmem>>, vector<1000x1xf32>
    %add3A_11 = arith.addf %add3A, %get3A_10 : vector<1000x1xf32>
    %mul3A = arith.mulf %get3A_1, %add3A_11 : vector<1000x1xf32>
    %get3A_12 = arith.constant 0 : index
    %get3A_13 = arith.constant 0 : index
    %get3A_14 = vector.load %arg5[%get3A_12, %get3A_13] : memref<1x1xf32, #tpu.memory_space<vmem>>, vector<1x1xf32>
    %add3A_15 = vector.broadcast %get3A_14 : vector<1x1xf32> to vector<1000x1xf32>
    %add3A_16 = arith.addf %mul3A, %add3A_15 : vector<1000x1xf32>
    %max3A = arith.constant 0.000000e+00 : f32
    %max3A_17 = vector.broadcast %max3A : f32 to vector<1000x1xf32>
    %max3A_18 = arith.maximumf %add3A_16, %max3A_17 : vector<1000x1xf32>
    %get3A_19 = arith.constant 0 : index
    %get3A_20 = arith.constant 0 : index
    %get3A_21 = vector.load %arg6[%get3A_19, %get3A_20] : memref<1000x1xf32, #tpu.memory_space<vmem>>, vector<1000x1xf32>
    %add3A_22 = arith.addf %max3A_18, %get3A_21 : vector<1000x1xf32>
    %swap3A = arith.constant 0 : index
    %swap3A_23 = arith.constant 0 : index
    %swap3A_24 = vector.load %arg7[%swap3A, %swap3A_23] : memref<1000x1xf32, #tpu.memory_space<vmem>>, vector<1000x1xf32>
    tpu.vector_store %arg7[%swap3A, %swap3A_23], %add3A_22 {strides = array<i32>} : memref<1000x1xf32, #tpu.memory_space<vmem>>, vector<1000x1xf32>,
    return
  }
  func.func @transform_0(%arg0: i32) -> (i32, i32) {
    %c0_i32 = arith.constant 0 : i32
    %c0_i32_0 = arith.constant 0 : i32
    return %arg0, %c0_i32 : i32, i32
  }
  func.func @transform_1(%arg0: i32) -> (i32, i32) {
    %c0_i32 = arith.constant 0 : i32
    %c0_i32_0 = arith.constant 0 : i32
    return %arg0, %c0_i32 : i32, i32
  }
  func.func @transform_2(%arg0: i32) -> (i32, i32) {
    %c0_i32 = arith.constant 0 : i32
    %c0_i32_0 = arith.constant 0 : i32
    return %arg0, %c0_i32 : i32, i32
  }
  func.func @transform_3(%arg0: i32) -> (i32, i32) {
    %c0_i32 = arith.constant 0 : i32
    %c0_i32_0 = arith.constant 0 : i32
    return %arg0, %c0_i32 : i32, i32
  }
  func.func @transform_4(%arg0: i32) -> (i32, i32) {
    %c0_i32 = arith.constant 0 : i32
    %c0_i32_0 = arith.constant 0 : i32
    %c0_i32_1 = arith.constant 0 : i32
    return %c0_i32, %c0_i32_0 : i32, i32
  }
  func.func @transform_5(%arg0: i32) -> (i32, i32) {
    %c0_i32 = arith.constant 0 : i32
    %c0_i32_0 = arith.constant 0 : i32
    return %arg0, %c0_i32 : i32, i32
  }
  func.func @transform_6(%arg0: i32) -> (i32, i32) {
    %c0_i32 = arith.constant 0 : i32
    %c0_i32_0 = arith.constant 0 : i32
    return %arg0, %c0_i32 : i32, i32
  }
}

</mosaic_0001>

<sc_bundles>
// kernel: kernel.11.cloned.1.call-start
scs
__scs_entry_jumppad:
0x0: {  	(pc) =	sbr.rel $0x88, $3  }
0x1: {  	(tag) =	ssettag $0x0;
	lr =	simm.s32 $0x1  }
0x2: {  	[smem:$0x3F9B] =	sst lr;
	_ =	strace $0xD0000000  }
0x3: {  	_ = 	snop  }
0x4: {  	_ = 	snop  }
0x5: {  	_ = 	snop  }
0x6: {  	_ = 	snop  }
0x7: {  	_ = 	snop  }
__scs_overlays_trampoline_lowered:
0x8: {  	[smem:$0x3FAA] =	sst s0  }
0x9: {  	[smem:$0x3FAB] =	sst s1  }
0xa: {  	[smem:$0x3FAC] =	sst s2  }
0xb: {  	[smem:$0x3FAD] =	sst s3  }
0xc: {  	[smem:$0x3FAE] =	sst s4  }
0xd: {  	[smem:$0x3FAF] =	sst s5  }
0xe: {  	[smem:$0x3FB0] =	sst s6  }
0xf: {  	[smem:$0x3FB1] =	sst s7  }
0x10: {  	[smem:$0x3FB2] =	sst s8  }
0x11: {  	[smem:$0x3FB3] =	sst s9;
	s0 =	simm.s32 @!p0 $0x0  }
0x12: {  	s1 =	sld [smem:$0x3F99];
	s0 =	simm.s32 @p0 $0x1  }
0x13: {  	[smem:$0x3FB4] =	sst s0;
	s0 =	simm.s32 @!p1 $0x0  }
0x14: {  	s2 =	sld [smem:$0x3F98];
	s0 =	simm.s32 @p1 $0x1  }
0x15: {  	[smem:$0x3FB5] =	sst s0;
	s0 =	simm.s32 @!p2 $0x0  }
0x16: {  	s3 =	sld [smem:$0x3FDB];
	s0 =	simm.s32 @p2 $0x1  }
0x17: {  	s4 =	simm.s32 $0x1BF5;
	[smem:$0x3FB7] =	sst s0  }
0x18: {  	s0 =	sld [smem:$0x3F9A];
	_ =	swait.ge [sflag:s4], $0x0  }
0x19: {  	s7 =	sld [smem:$0x3F9B]  }
0x1a: {  	s8 =	sadd.s32 $0xFFFFE003, lr  }
0x1b: {  	s9 =	sadd.s32 $0xFFFFFEF7, lr;
	s5 =	simm.s32 $0xFFFFFFFF;
	p2 =	slt.u32 s8, $0xFFFFF086  }
0x1c: {  	p1 =	slt.u32 s9, $0xF7A;
	s5 =	simm.s32 @!p2 $0x0  }
0x1d: {  	s5 =	simm.s32 @p1 $0x1;
	p0 =	seq.s32 s7, s2  }
0x1e: {  	s7 =	smul.u32 @!p0 $0xF7A, s2;
	p2 =	seq.s32 @!p0 s5, $0x0  }
0x1f: {  	s9 =	smul.u32 $0xF7A, s1;
	s8 =	simm.s32 @!p0 $0x1BF5;
	p2 =	por !p2, p0  }
0x20: {  	[sflag:s8] =	ssyncset.s32 @!p0 $0xFFFFF086;
	s6 =	sadd.s32 @!p0 s3, s7;
	s7 =	simm.s32 @!p0 $0x108  }
0x21: {  	s3 =	sadd.s32 s3, s9;
	s6 =	sadd.s32 @!p0 $0x88, s6;
	s7 =	simm.s32 @p2 $0x1082  }
0x22: {  	[simem:s7], [sflag:s8] =	dma.local @!p0 [hbm:s6], $0xF7A  }
0x23: {  	s9 =	sor.u32 $0xD0000000, s2;
	s6 =	simm.s32 $0x108;
	_ =	swait.ge @!p0 [sflag:s8], $0x0  }
0x24: {  	s3 =	sadd.s32 $0x88, s3;
	s6 =	simm.s32 @!p1 $0x1082;
	[sflag:s4] =	ssyncset.s32 $0xFFFFF086  }
0x25: {  	[simem:s6], [sflag:s4] =	dma.local [hbm:s3], $0xF7A  }
0x26: {  	[smem:$0x3F9B] =	sst s1;
	(tag) =	ssettag s2;
	_ =	strace s9  }
0x27: {  	s1 =	sld [smem:$0x3FAB]  }
0x28: {  	s2 =	sld [smem:$0x3FAC]  }
0x29: {  	s4 =	sld [smem:$0x3FAE]  }
0x2a: {  	p0 =	seq.s32 s5, $0x0;
	s5 =	sld [smem:$0x3FAF]  }
0x2b: {  	s6 =	sld [smem:$0x3FB0]  }
0x2c: {  	s7 =	sld [smem:$0x3FB1]  }
0x2d: {  	s3 =	simm.s32 $0x108;
	s8 =	sld [smem:$0x3FB2]  }
0x2e: {  	s3 =	simm.s32 @!p0 $0x1082;
	s9 =	sld [smem:$0x3FB3]  }
0x2f: {  	lr =	sadd.s32 s0, s3;
	s0 =	sld [smem:$0x3FAA]  }
0x30: {  	s3 =	sld [smem:$0x3FAD]  }
0x31: {  	[smem:$0x3FB6] =	sst s10  }
0x32: {  	s10 =	sld [smem:$0x3FB4];
	_ =	sdelay $0x3  }
0x33: {  	p0 =	seq.s32 s10, $0x1;
	s10 =	sld [smem:$0x3FB6];
	_ =	sdelay $0x3  }
0x34: {  	[smem:$0x3FB6] =	sst s10  }
0x35: {  	s10 =	sld [smem:$0x3FB5];
	_ =	sdelay $0x3  }
0x36: {  	p1 =	seq.s32 s10, $0x1;
	s10 =	sld [smem:$0x3FB6];
	_ =	sdelay $0x3  }
0x37: {  	[smem:$0x3FB6] =	sst s10  }
0x38: {  	s10 =	sld [smem:$0x3FB7]  }
0x39: {  	_ = 	snop;
	(pc) =	sbr.ind lr, $3  }
0x3a: {  	_ = 	snop  }
0x3b: {  	_ = 	snop  }
0x3c: {  	p2 =	seq.s32 s10, $0x1;
	s10 =	sld [smem:$0x3FB6]  }
0x3d: {  	_ =	shalt  }
0x3e: {  	_ =	shalt  }
0x3f: {  	_ =	shalt  }
0x40: {  	_ =	shalt  }
0x41: {  	_ =	shalt  }
0x42: {  	_ =	shalt  }
0x43: {  	_ =	shalt  }
0x44: {  	_ =	shalt  }
0x45: {  	_ =	shalt  }
0x46: {  	_ =	shalt  }
0x47: {  	_ =	shalt  }
0x48: {  	_ =	shalt  }
0x49: {  	_ =	shalt  }
0x4a: {  	_ =	shalt  }
0x4b: {  	_ =	shalt  }
0x4c: {  	_ =	shalt  }
0x4d: {  	_ =	shalt  }
0x4e: {  	_ =	shalt  }
0x4f: {  	_ =	shalt  }
0x50: {  	_ =	shalt  }
0x51: {  	_ =	shalt  }
0x52: {  	_ =	shalt  }
0x53: {  	_ =	shalt  }
0x54: {  	_ =	shalt  }
0x55: {  	_ =	shalt  }
0x56: {  	_ =	shalt  }
0x57: {  	_ =	shalt  }
0x58: {  	_ =	shalt  }
0x59: {  	_ =	shalt  }
0x5a: {  	_ =	shalt  }
0x5b: {  	_ =	shalt  }
0x5c: {  	_ =	shalt  }
0x5d: {  	_ =	shalt  }
0x5e: {  	_ =	shalt  }
0x5f: {  	_ =	shalt  }
0x60: {  	_ =	shalt  }
0x61: {  	_ =	shalt  }
0x62: {  	_ =	shalt  }
0x63: {  	_ =	shalt  }
0x64: {  	_ =	shalt  }
0x65: {  	_ =	shalt  }
0x66: {  	_ =	shalt  }
0x67: {  	_ =	shalt  }
0x68: {  	_ =	shalt  }
0x69: {  	_ =	shalt  }
0x6a: {  	_ =	shalt  }
0x6b: {  	_ =	shalt  }
0x6c: {  	_ =	shalt  }
0x6d: {  	_ =	shalt  }
0x6e: {  	_ =	shalt  }
0x6f: {  	_ =	shalt  }
0x70: {  	_ =	shalt  }
0x71: {  	_ =	shalt  }
0x72: {  	_ =	shalt  }
0x73: {  	_ =	shalt  }
0x74: {  	_ =	shalt  }
0x75: {  	_ =	shalt  }
0x76: {  	_ =	shalt  }
0x77: {  	_ =	shalt  }
0x78: {  	_ =	shalt  }
0x79: {  	_ =	shalt  }
0x7a: {  	_ =	shalt  }
0x7b: {  	_ =	shalt  }
0x7c: {  	_ =	shalt  }
0x7d: {  	_ =	shalt  }
0x7e: {  	_ =	shalt  }
0x7f: {  	_ =	shalt  }
0x80: {  	_ =	shalt  }
0x81: {  	_ =	shalt  }
0x82: {  	_ =	shalt  }
0x83: {  	_ =	shalt  }
0x84: {  	_ =	shalt  }
0x85: {  	_ =	shalt  }
0x86: {  	_ =	shalt  }
0x87: {  	_ =	shalt  }
.Lfunc_end0:
.L_simem_size_0:
called_computation.1_lowered:
.L_overlay_start_0:
0x88: {  	s2 =	sld [smem:$0x3FD9]  }
0x89: {  	s3 =	sld [smem:$0x3FFE];
	_ =	sdelay $0x1  }
0x8a: {  	s1 =	srdreg.scid  }
0x8b: {  	s0 =	sand.u32 $0x1, s1  }
0x8c: {  	s16 =	sshll.u32 s0, $0xA;
	s2 =	sadd.s32 s3, s2  }
0x8d: {  	s2 =	sadd.s32 s2, s16  }
0x8e: {  	[smem:$0x3FC2] =	sst s2  }
0x8f: {  	_ = 	snop  }
0x90: {  	(tm) =	ssettm $0x1  }
0x91: {  	s17 =	sld [smem:$0x3FFB];
	_ =	sdelay $0x3  }
0x92: {  	_ =	strace s17  }
0x93: {  	s2 =	sld [smem:$0x3FFC];
	_ =	sdelay $0x3  }
0x94: {  	_ =	strace s2  }
0x95: {  	s2 =	sld [smem:$0x3FFD];
	_ =	sdelay $0x3  }
0x96: {  	_ =	strace s2  }
0x97: {  	_ =	strace $0x8FFFFFFF  }
0x98: {  	s18 =	sld [smem:$0x3FDB];
	_ =	sdelay $0x1  }
0x99: {  	s19 =	simm.s32 $_scs_section_size  }
0x9a: {  	s4 =	simm.s32 $_size__tile_overlayer_lowered;
	s5 =	simm.s32 $_tile_overlayer_lowered  }
0x9b: {  	s22 =	simm.s32 $0x1BFF;
	s21 =	sshll.u32 s5, $0x1;
	s2 =	sadd.s32 s19, s18  }
0x9c: {  	s6 =	simm.s32 $0x0;
	s20 =	sshll.u32 s4, $0x1;
	s4 =	sadd.s32 s21, s2  }
0x9d: {  	[timem:s6], [sflag:s22] =	dma.local [hbm:s4], s20  }
0x9e: {  	_ =	swait.ge [sflag:s22], s20  }
0x9f: {  	s3 =	ssub.s32 $0x0, s20;
	[sflag:s22] =	ssyncset.done $0x0  }
0xa0: {  	[sflag:s22] =	ssyncadd.s32 s3;
	_ =	sdelay $0x1  }
0xa1: {  	s23 =	simm.s32 $0x1B8B  }
0xa2: {  	_ =	swait.ge [sflag:s23], $0x1  }
0xa3: {  	[sflag:s23] =	ssyncset.done $0x0  }
0xa4: {  	s25 =	simm.s32 $0x1B8E;
	s24 =	sld [smem:$0x3FFE];
	[sflag:s23] =	ssyncadd.s32 $0xFFFFFFFF  }
0xa5: {  	s26 =	simm.s32 $execute0_lowered;
	[smem:$0x3FD2] =	sst s25  }
0xa6: {  	s4 =	sshll.u32 s26, $0x1;
	_ =	strace $0x80000049;
	[dreg:$0x1] =	wrdreg $0xFFFFFFFF  }
0xa7: {  	s28 =	simm.s32 $_size_execute0_lowered;
	s2 =	sadd.s32 s2, s4;
	[dreg:$0x0] =	wrdreg $0x0  }
0xa8: {  	s4 =	sshll.u32 s28, $0x1;
	[dreg:$0x2] =	wrdreg s2  }
0xa9: {  	[dreg:$0x3] =	wrdreg s4  }
0xaa: {  	[dreg:$0x4] =	wrdreg $0xC0  }
0xab: {  	_ =	task [dreg:s6], $0x5FFFF  }
0xac: {  	[dreg:$0x1] =	wrdreg $0xFFFFFFFF  }
0xad: {  	[dreg:$0x0] =	wrdreg $0x60  }
0xae: {  	[dreg:$0x2] =	wrdreg s24  }
0xaf: {  	[dreg:$0x3] =	wrdreg $0xB5400  }
0xb0: {  	[dreg:$0x4] =	wrdreg $0x9  }
0xb1: {  	_ =	task.clear_ibuf [dreg:s6], $0x5FFFF;
	_ =	strace $0x90000049  }
0xb2: {  	s29 =	simm.s32 $0x9;
	_ =	strace $0x8000004B  }
0xb3: {  	_ =	swait.ge [sflag:s29], $0x1  }
0xb4: {  	[sflag:s29] =	ssyncadd.s32 $0xFFFFFFFF  }
0xb5: {  	_ =	strace $0x9000004B  }
0xb6: {  	_ =	sfence  }
0xb7: {  	s30 =	sld [smem:$0x0];
	_ =	sdelay $0x2  }
0xb8: {  	s31 =	sshll.u32 s1, $0xD;
	s1 =	sshrl.u32 s1, $0x2  }
0xb9: {  	s3 =	sand.u32 $0x4000, s31;
	s1 =	sadd.s32 s1, s30  }
0xba: {  	s0 =	sor.u32 s3, s0;
	s1 =	sshll.u32 s1, $0x11  }
0xbb: {  	s0 =	sor.u32 s1, s0  }
0xbc: {  	s0 =	sadd.s32 $0x8F2B, s0  }
0xbd: {  	[sflag:s0] =	ssyncadd.remote.s32 $0x1  }
0xbe: {  	_ =	sfence.sel $0xFFFF  }
0xbf: {  	[dreg:$0x0] =	wrdreg $0xFFFFFFFF;
	(pc) =	sbr.abs _section_cstart, $3  }
0xc0: {  	[dreg:$0x1] =	wrdreg $0xFFFFFFFF  }
0xc1: {  	_ =	task.clear_ibuf [dreg:s6], $0x2FFFF;
	_ =	strace $0x9FFFFFFF  }
0xc2: {  	(tm) =	ssettm $0x7FFFFFFF  }
0xc3: {  	_ =	shalt  }
tec
execute0_lowered:
.L_overlay_start_1:
0x0: {  	(tag) =	ssettag $0x1  }
0x1: {  	s0 =	srdreg.scid;
	s6 =	rddreg [dreg:$0x0]  }
0x2: {  	s2 =	rddreg [dreg:$0x1];
	s3 =	simm.s32 $0x0;
	s12 =	simm.s32 $0x64  }
0x3: {  	s13 =	simm.s32 $0x5140;
	s16 =	simm.s32 $0x1;
	s17 =	simm.s32 $0x8340  }
0x4: {  	s18 =	simm.s32 $0x2;
	s19 =	simm.s32 $0x2838;
	s20 =	simm.s32 $0x5070  }
0x5: {  	s21 =	simm.s32 $0x50D8;
	s5 =	sand.u32 $0x1, s0;
	s0 =	stileid.u32  }
0x6: {  	s22 =	simm.s32 $0x0;
	[smem:$0x7FF] =	sst s3;
	s7 =	smul.u32 $0x14000, s0  }
0x7: {  	s1 =	sshll.u32 s5, $0x4;
	s8 =	smul.u32 $0x140000, s5;
	s5 =	ssub.s32 $0x2, s5  }
0x8: {  	s14 =	sshll.u32 s0, $0x6;
	s1 =	sor.u32 s0, s1;
	s31 =	sshrl.u32 s5, $0x1  }
0x9: {  	s14 =	sor.u32 $0x1C03, s14;
	s4 =	smul.u32 $0x514, s1;
	s1 =	rddreg [dreg:$0x2]  }
0xa: {  	_ =	strace $0x8000004A;
	s8 =	sadd.s32 s7, s8;
	s10 =	sshrl.u32 s7, $0x3  }
0xb: {  	s11 =	ssub.s32 s5, s31;
	s15 =	sadd.s32 s7, s2;
	s8 =	sshrl.u32 s8, $0x3  }
0xc: {  	s10 =	sadd.s32 s10, s6;
	s15 =	sshrl.u32 s15, $0x3;
	s9 =	sadd.s32 s4, s6  }
0xd: {  	s4 =	sadd.s32 $0x2B200, s6;
	s8 =	sadd.s32 s8, s6;
	s7 =	sadd.s32 $0x79600, s10  }
0xe: {  	s10 =	simm.s32 $0x3;
	s5 =	sadd.s32 $0x20E00, s9;
	s6 =	sadd.s32 $0x16A00, s9  }
0xf: {  	s8 =	sadd.s32 $0xA1600, s8;
	s9 =	smax.u32 s11, $0x1;
	s11 =	simm.s32 $0x28A0  }
.LBB2_1:
0x10: {  	[tilespmem:s3], [sflag:$0x3] =	stream.linear.gather [hbm4b:s5+s3], $0x28A0, $0x38;
	[tilespmem:$0x1F540] =	vst v63  }
0x11: {  	_ =	swait.ge [sflag:s10], $0x28A0  }
0x12: {  	[sflag:s10] =	ssyncset.done $0x0  }
0x13: {  	[sflag:s10] =	ssyncadd.s32 $0xFFFFD760  }
0x14: {  	[tilespmem:s11], [sflag:$0x3] =	stream.linear.gather [hbm4b:s6+s3], $0x28A0, $0x38;
	[tilespmem:$0x1F540] =	vst v63  }
0x15: {  	_ =	swait.ge [sflag:s10], $0x28A0  }
0x16: {  	[sflag:s10] =	ssyncset.done $0x0  }
0x17: {  	[sflag:s10] =	ssyncadd.s32 $0xFFFFD760  }
0x18: {  	[tilespmem:s13], [sflag:$0x1] =	stream.indirect.gather [hbm4b:s4+s12], $0x80, s3, s12, $0xb8;
	[tilespmem:$0x1F540] =	vst v63  }
0x19: {  	[spmem:s15], [sflag:s14] =	dma.local [hbm:s7], $0x2800  }
0x1a: {  	_ =	swait.ge [sflag:s10], $0x2800  }
0x1b: {  	[sflag:s10] =	ssyncset.done $0x0  }
0x1c: {  	[sflag:s10] =	ssyncadd.s32 $0xFFFFD800  }
0x1d: {  	[bflag:$0x0] =	sbarrier.arrive $0xFFFF  }
0x1e: {  	_ =	swait.ge [sflag:s16], $0x3200  }
0x1f: {  	[sflag:s16] =	ssyncset.done $0x0  }
0x20: {  	s23 =	simm.s32 $0x68;
	[sflag:s16] =	ssyncadd.s32 $0xFFFFCE00  }
0x21: {  	[tilespmem:s17], [sflag:$0x2] =	stream.indirect.gather [hbm4b:s4+s12], $0x80, s23, s12, $0xb8;
	[tilespmem:$0x1F540] =	vst v63  }
0x22: {  	s29 =	simm.s32 $0x28A0  }
0x23: {  	[spmem:s2] =	stream.indirect.scatter.add.f32 [tilespmem:s13], [sflag:$0x3], $0x80, s29, s12, $0xb8;
	[tilespmem:$0x1F540] =	vst v63  }
0x24: {  	_ =	swait.ge [sflag:s10], $0x3200  }
0x25: {  	[sflag:s10] =	ssyncset.done $0x0  }
0x26: {  	[sflag:s10] =	ssyncadd.s32 $0xFFFFCE00  }
0x27: {  	_ =	swait.ge [sflag:s18], $0x3200  }
0x28: {  	[sflag:s18] =	ssyncset.done $0x0  }
0x29: {  	s30 =	simm.s32 $0xD0;
	[sflag:s18] =	ssyncadd.s32 $0xFFFFCE00  }
0x2a: {  	[tilespmem:s13], [sflag:$0x1] =	stream.indirect.gather [hbm4b:s4+s12], $0x80, s30, s12, $0xb8;
	[tilespmem:$0x1F540] =	vst v63  }
0x2b: {  	s31 =	simm.s32 $0x2908  }
0x2c: {  	[spmem:s2] =	stream.indirect.scatter.add.f32 [tilespmem:s17], [sflag:$0x3], $0x80, s31, s12, $0xb8;
	[tilespmem:$0x1F540] =	vst v63  }
0x2d: {  	_ =	swait.ge [sflag:s10], $0x3200  }
0x2e: {  	s23 =	simm.s32 $0x340;
	[sflag:s10] =	ssyncset.done $0x0  }
.LBB2_2:
0x2f: {  	p0 =	sne.s32 s23, $0x9C00  }
0x30: {  	[sflag:s10] =	ssyncadd.s32 $0xFFFFCE00;
	s24 =	smov.u32 s23;
	s23 =	sadd.s32 $0x340, s23  }
0x31: {  	_ = 	snop  }
0x32: {  	_ =	swait.ge [sflag:s16], $0x3200  }
0x33: {  	s24 =	sshra.s32 s24, $0x2;
	[sflag:s16] =	ssyncset.done $0x0  }
0x34: {  	s25 =	sadd.s32 $0x68, s24;
	[sflag:s16] =	ssyncadd.s32 $0xFFFFCE00  }
0x35: {  	[tilespmem:s17], [sflag:$0x2] =	stream.indirect.gather [hbm4b:s4+s12], $0x80, s25, s12, $0xb8;
	[tilespmem:$0x1F540] =	vst v63  }
0x36: {  	s25 =	sadd.s32 $0x28A0, s24  }
0x37: {  	[spmem:s2] =	stream.indirect.scatter.add.f32 [tilespmem:s13], [sflag:$0x3], $0x80, s25, s12, $0xb8;
	[tilespmem:$0x1F540] =	vst v63  }
0x38: {  	_ =	swait.ge [sflag:s10], $0x3200  }
0x39: {  	[sflag:s10] =	ssyncset.done $0x0  }
0x3a: {  	[sflag:s10] =	ssyncadd.s32 $0xFFFFCE00  }
0x3b: {  	_ =	swait.ge [sflag:s18], $0x3200  }
0x3c: {  	[sflag:s18] =	ssyncset.done $0x0  }
0x3d: {  	s25 =	sadd.s32 $0xD0, s24;
	[sflag:s18] =	ssyncadd.s32 $0xFFFFCE00  }
0x3e: {  	[tilespmem:s13], [sflag:$0x1] =	stream.indirect.gather [hbm4b:s4+s12], $0x80, s25, s12, $0xb8;
	[tilespmem:$0x1F540] =	vst v63  }
.Ltmp0:
0x3f: {  	_ = 	snop;
	(pc) =	sbr.rel @p0 .LBB2_2-.Ltmp0, $4  }
0x40: {  	s24 =	sadd.s32 $0x2908, s24  }
0x41: {  	[spmem:s2] =	stream.indirect.scatter.add.f32 [tilespmem:s17], [sflag:$0x3], $0x80, s24, s12, $0xb8;
	[tilespmem:$0x1F540] =	vst v63  }
0x42: {  	_ =	swait.ge [sflag:s10], $0x3200  }
0x43: {  	[sflag:s10] =	ssyncset.done $0x0  }
0x44: {  	[sflag:s10] =	ssyncadd.s32 $0xFFFFCE00  }
0x45: {  	_ =	swait.ge [sflag:s16], $0x3200  }
0x46: {  	[sflag:s16] =	ssyncset.done $0x0  }
0x47: {  	[sflag:s16] =	ssyncadd.s32 $0xFFFFCE00  }
0x48: {  	[tilespmem:s17], [sflag:$0x2] =	stream.indirect.gather [hbm4b:s4+s12], $0x80, s19, s12, $0xb8;
	[tilespmem:$0x1F540] =	vst v63  }
0x49: {  	_ = 	snop  }
0x4a: {  	[spmem:s2] =	stream.indirect.scatter.add.f32 [tilespmem:s13], [sflag:$0x3], $0x80, s20, s12, $0xb8;
	[tilespmem:$0x1F540] =	vst v63  }
0x4b: {  	_ =	swait.ge [sflag:s10], $0x3200  }
0x4c: {  	[sflag:s10] =	ssyncset.done $0x0  }
0x4d: {  	[sflag:s10] =	ssyncadd.s32 $0xFFFFCE00  }
0x4e: {  	_ =	swait.ge [sflag:s18], $0x3200  }
0x4f: {  	[sflag:s18] =	ssyncset.done $0x0  }
0x50: {  	[sflag:s18] =	ssyncadd.s32 $0xFFFFCE00  }
0x51: {  	[tilespmem:s13], [sflag:$0x1] =	stream.indirect.gather [hbm4b:s4+s12], $0x80, s19, s12, $0xb8;
	[tilespmem:$0x1F540] =	vst v63  }
0x52: {  	_ = 	snop  }
0x53: {  	[spmem:s2] =	stream.indirect.scatter.add.f32 [tilespmem:s17], [sflag:$0x3], $0x80, s21, s12, $0xb8;
	[tilespmem:$0x1F540] =	vst v63  }
0x54: {  	_ =	swait.ge [sflag:s10], $0x3200  }
0x55: {  	[sflag:s10] =	ssyncset.done $0x0  }
0x56: {  	[sflag:s10] =	ssyncadd.s32 $0xFFFFCE00  }
0x57: {  	_ =	swait.ge [sflag:s16], $0x3200  }
0x58: {  	s22 =	sadd.s32 $0x1, s22;
	[sflag:s16] =	ssyncset.done $0x0  }
0x59: {  	p0 =	sne.s32 s22, s9;
	[sflag:s16] =	ssyncadd.s32 $0xFFFFCE00  }
.Ltmp1:
0x5a: {  	[bflag:$0x0] =	sbarrier.arrive $0xFFFF;
	(pc) =	sbr.rel @p0 .LBB2_1-.Ltmp1, $4  }
0x5b: {  	[hbm:s8], [sflag:s14] =	dma.local [spmem:s15], $0x2800  }
0x5c: {  	_ =	swait.ge [sflag:s10], $0x2800  }
0x5d: {  	[sflag:s10] =	ssyncset.done $0x0  }
0x5e: {  	[sflag:s10] =	ssyncadd.s32 $0xFFFFD800  }
0x5f: {  	_ =	sfence.sel $0x180000  }
0x60: {  	[bflag:$0x0] =	sbarrier.arrive $0xFFFF  }
0x61: {  	p0 =	sne.s32 s0, $0x0;
	_ =	strace $0x9000004A  }
0x62: {  	s0 =	sadd.s32 @!p0 $0x100000, s1;
	[bflag:$0x2] =	sbarrier.arrive $0xFFFF  }
0x63: {  	[sflag:s0] =	ssyncadd.tile.s32 @!p0 $0x1;
	_ =	shalt  }
.Lfunc_end2:
_tile_overlayer_lowered:
.L_overlay_start_2:
0x64: {  	(tag) =	ssettag $0x2  }
0x65: {  	s0 =	rddreg [dreg:$0x0];
	s2 =	stileid.u32  }
0x66: {  	s1 =	rddreg [dreg:$0x1];
	p0 =	sne.s32 s2, $0x0  }
0x67: {  	s3 =	rddreg [dreg:$0x2];
	[bflag:$0x3] =	sbarrier.arrive $0xFFFF;
	s2 =	simm.s32 @!p0 $0x1C03  }
0x68: {  	[timem:s3], [sflag:s2] =	dma.local @!p0 [hbm:s0], s1  }
0x69: {  	s0 =	simm.s32 @!p0 $0x3  }
0x6a: {  	_ =	swait.ge @!p0 [sflag:s0], s1  }
0x6b: {  	s1 =	ssub.s32 @!p0 $0x0, s1;
	[sflag:s0] =	ssyncset.done @!p0 $0x0  }
0x6c: {  	[sflag:s0] =	ssyncadd.s32 @!p0 s1  }
0x6d: {  	[bflag:$0x3] =	sbarrier.arrive $0xFFFF  }
0x6e: {  	_ =	shalt  }

// kernel: kernel.14.cloned.1.call-start
scs
__scs_entry_jumppad:
0x0: {  	(pc) =	sbr.rel $0x88, $3  }
0x1: {  	(tag) =	ssettag $0x0;
	lr =	simm.s32 $0x1  }
0x2: {  	[smem:$0x3F9B] =	sst lr;
	_ =	strace $0xD0000000  }
0x3: {  	_ = 	snop  }
0x4: {  	_ = 	snop  }
0x5: {  	_ = 	snop  }
0x6: {  	_ = 	snop  }
0x7: {  	_ = 	snop  }
__scs_overlays_trampoline_lowered:
0x8: {  	[smem:$0x3FAA] =	sst s0  }
0x9: {  	[smem:$0x3FAB] =	sst s1  }
0xa: {  	[smem:$0x3FAC] =	sst s2  }
0xb: {  	[smem:$0x3FAD] =	sst s3  }
0xc: {  	[smem:$0x3FAE] =	sst s4  }
0xd: {  	[smem:$0x3FAF] =	sst s5  }
0xe: {  	[smem:$0x3FB0] =	sst s6  }
0xf: {  	[smem:$0x3FB1] =	sst s7  }
0x10: {  	[smem:$0x3FB2] =	sst s8  }
0x11: {  	[smem:$0x3FB3] =	sst s9;
	s0 =	simm.s32 @!p0 $0x0  }
0x12: {  	s1 =	sld [smem:$0x3F99];
	s0 =	simm.s32 @p0 $0x1  }
0x13: {  	[smem:$0x3FB4] =	sst s0;
	s0 =	simm.s32 @!p1 $0x0  }
0x14: {  	s2 =	sld [smem:$0x3F98];
	s0 =	simm.s32 @p1 $0x1  }
0x15: {  	[smem:$0x3FB5] =	sst s0;
	s0 =	simm.s32 @!p2 $0x0  }
0x16: {  	s3 =	sld [smem:$0x3FDB];
	s0 =	simm.s32 @p2 $0x1  }
0x17: {  	s4 =	simm.s32 $0x1BF5;
	[smem:$0x3FB7] =	sst s0  }
0x18: {  	s0 =	sld [smem:$0x3F9A];
	_ =	swait.ge [sflag:s4], $0x0  }
0x19: {  	s7 =	sld [smem:$0x3F9B]  }
0x1a: {  	s8 =	sadd.s32 $0xFFFFE003, lr  }
0x1b: {  	s9 =	sadd.s32 $0xFFFFFEF7, lr;
	s5 =	simm.s32 $0xFFFFFFFF;
	p2 =	slt.u32 s8, $0xFFFFF086  }
0x1c: {  	p1 =	slt.u32 s9, $0xF7A;
	s5 =	simm.s32 @!p2 $0x0  }
0x1d: {  	s5 =	simm.s32 @p1 $0x1;
	p0 =	seq.s32 s7, s2  }
0x1e: {  	s7 =	smul.u32 @!p0 $0xF7A, s2;
	p2 =	seq.s32 @!p0 s5, $0x0  }
0x1f: {  	s9 =	smul.u32 $0xF7A, s1;
	s8 =	simm.s32 @!p0 $0x1BF5;
	p2 =	por !p2, p0  }
0x20: {  	[sflag:s8] =	ssyncset.s32 @!p0 $0xFFFFF086;
	s6 =	sadd.s32 @!p0 s3, s7;
	s7 =	simm.s32 @!p0 $0x108  }
0x21: {  	s3 =	sadd.s32 s3, s9;
	s6 =	sadd.s32 @!p0 $0x88, s6;
	s7 =	simm.s32 @p2 $0x1082  }
0x22: {  	[simem:s7], [sflag:s8] =	dma.local @!p0 [hbm:s6], $0xF7A  }
0x23: {  	s9 =	sor.u32 $0xD0000000, s2;
	s6 =	simm.s32 $0x108;
	_ =	swait.ge @!p0 [sflag:s8], $0x0  }
0x24: {  	s3 =	sadd.s32 $0x88, s3;
	s6 =	simm.s32 @!p1 $0x1082;
	[sflag:s4] =	ssyncset.s32 $0xFFFFF086  }
0x25: {  	[simem:s6], [sflag:s4] =	dma.local [hbm:s3], $0xF7A  }
0x26: {  	[smem:$0x3F9B] =	sst s1;
	(tag) =	ssettag s2;
	_ =	strace s9  }
0x27: {  	s1 =	sld [smem:$0x3FAB]  }
0x28: {  	s2 =	sld [smem:$0x3FAC]  }
0x29: {  	s4 =	sld [smem:$0x3FAE]  }
0x2a: {  	p0 =	seq.s32 s5, $0x0;
	s5 =	sld [smem:$0x3FAF]  }
0x2b: {  	s6 =	sld [smem:$0x3FB0]  }
0x2c: {  	s7 =	sld [smem:$0x3FB1]  }
0x2d: {  	s3 =	simm.s32 $0x108;
	s8 =	sld [smem:$0x3FB2]  }
0x2e: {  	s3 =	simm.s32 @!p0 $0x1082;
	s9 =	sld [smem:$0x3FB3]  }
0x2f: {  	lr =	sadd.s32 s0, s3;
	s0 =	sld [smem:$0x3FAA]  }
0x30: {  	s3 =	sld [smem:$0x3FAD]  }
0x31: {  	[smem:$0x3FB6] =	sst s10  }
0x32: {  	s10 =	sld [smem:$0x3FB4];
	_ =	sdelay $0x3  }
0x33: {  	p0 =	seq.s32 s10, $0x1;
	s10 =	sld [smem:$0x3FB6];
	_ =	sdelay $0x3  }
0x34: {  	[smem:$0x3FB6] =	sst s10  }
0x35: {  	s10 =	sld [smem:$0x3FB5];
	_ =	sdelay $0x3  }
0x36: {  	p1 =	seq.s32 s10, $0x1;
	s10 =	sld [smem:$0x3FB6];
	_ =	sdelay $0x3  }
0x37: {  	[smem:$0x3FB6] =	sst s10  }
0x38: {  	s10 =	sld [smem:$0x3FB7]  }
0x39: {  	_ = 	snop;
	(pc) =	sbr.ind lr, $3  }
0x3a: {  	_ = 	snop  }
0x3b: {  	_ = 	snop  }
0x3c: {  	p2 =	seq.s32 s10, $0x1;
	s10 =	sld [smem:$0x3FB6]  }
0x3d: {  	_ =	shalt  }
0x3e: {  	_ =	shalt  }
0x3f: {  	_ =	shalt  }
0x40: {  	_ =	shalt  }
0x41: {  	_ =	shalt  }
0x42: {  	_ =	shalt  }
0x43: {  	_ =	shalt  }
0x44: {  	_ =	shalt  }
0x45: {  	_ =	shalt  }
0x46: {  	_ =	shalt  }
0x47: {  	_ =	shalt  }
0x48: {  	_ =	shalt  }
0x49: {  	_ =	shalt  }
0x4a: {  	_ =	shalt  }
0x4b: {  	_ =	shalt  }
0x4c: {  	_ =	shalt  }
0x4d: {  	_ =	shalt  }
0x4e: {  	_ =	shalt  }
0x4f: {  	_ =	shalt  }
0x50: {  	_ =	shalt  }
0x51: {  	_ =	shalt  }
0x52: {  	_ =	shalt  }
0x53: {  	_ =	shalt  }
0x54: {  	_ =	shalt  }
0x55: {  	_ =	shalt  }
0x56: {  	_ =	shalt  }
0x57: {  	_ =	shalt  }
0x58: {  	_ =	shalt  }
0x59: {  	_ =	shalt  }
0x5a: {  	_ =	shalt  }
0x5b: {  	_ =	shalt  }
0x5c: {  	_ =	shalt  }
0x5d: {  	_ =	shalt  }
0x5e: {  	_ =	shalt  }
0x5f: {  	_ =	shalt  }
0x60: {  	_ =	shalt  }
0x61: {  	_ =	shalt  }
0x62: {  	_ =	shalt  }
0x63: {  	_ =	shalt  }
0x64: {  	_ =	shalt  }
0x65: {  	_ =	shalt  }
0x66: {  	_ =	shalt  }
0x67: {  	_ =	shalt  }
0x68: {  	_ =	shalt  }
0x69: {  	_ =	shalt  }
0x6a: {  	_ =	shalt  }
0x6b: {  	_ =	shalt  }
0x6c: {  	_ =	shalt  }
0x6d: {  	_ =	shalt  }
0x6e: {  	_ =	shalt  }
0x6f: {  	_ =	shalt  }
0x70: {  	_ =	shalt  }
0x71: {  	_ =	shalt  }
0x72: {  	_ =	shalt  }
0x73: {  	_ =	shalt  }
0x74: {  	_ =	shalt  }
0x75: {  	_ =	shalt  }
0x76: {  	_ =	shalt  }
0x77: {  	_ =	shalt  }
0x78: {  	_ =	shalt  }
0x79: {  	_ =	shalt  }
0x7a: {  	_ =	shalt  }
0x7b: {  	_ =	shalt  }
0x7c: {  	_ =	shalt  }
0x7d: {  	_ =	shalt  }
0x7e: {  	_ =	shalt  }
0x7f: {  	_ =	shalt  }
0x80: {  	_ =	shalt  }
0x81: {  	_ =	shalt  }
0x82: {  	_ =	shalt  }
0x83: {  	_ =	shalt  }
0x84: {  	_ =	shalt  }
0x85: {  	_ =	shalt  }
0x86: {  	_ =	shalt  }
0x87: {  	_ =	shalt  }
.Lfunc_end0:
.L_simem_size_0:
called_computation.2_lowered:
.L_overlay_start_0:
0x88: {  	s2 =	sld [smem:$0x3FD9]  }
0x89: {  	s3 =	sld [smem:$0x3FFE];
	_ =	sdelay $0x1  }
0x8a: {  	s1 =	srdreg.scid  }
0x8b: {  	s0 =	sand.u32 $0x1, s1  }
0x8c: {  	s16 =	sshll.u32 s0, $0xA;
	s2 =	sadd.s32 s3, s2  }
0x8d: {  	s2 =	sadd.s32 s2, s16  }
0x8e: {  	[smem:$0x3FC2] =	sst s2  }
0x8f: {  	_ = 	snop  }
0x90: {  	(tm) =	ssettm $0x1  }
0x91: {  	s17 =	sld [smem:$0x3FFB];
	_ =	sdelay $0x3  }
0x92: {  	_ =	strace s17  }
0x93: {  	s2 =	sld [smem:$0x3FFC];
	_ =	sdelay $0x3  }
0x94: {  	_ =	strace s2  }
0x95: {  	s2 =	sld [smem:$0x3FFD];
	_ =	sdelay $0x3  }
0x96: {  	_ =	strace s2  }
0x97: {  	_ =	strace $0x8FFFFFFF  }
0x98: {  	s18 =	sld [smem:$0x3FDB];
	_ =	sdelay $0x1  }
0x99: {  	s19 =	simm.s32 $_scs_section_size  }
0x9a: {  	s4 =	simm.s32 $_size__tile_overlayer_lowered;
	s5 =	simm.s32 $_tile_overlayer_lowered  }
0x9b: {  	s22 =	simm.s32 $0x1BFF;
	s21 =	sshll.u32 s5, $0x1;
	s2 =	sadd.s32 s19, s18  }
0x9c: {  	s6 =	simm.s32 $0x0;
	s20 =	sshll.u32 s4, $0x1;
	s4 =	sadd.s32 s21, s2  }
0x9d: {  	[timem:s6], [sflag:s22] =	dma.local [hbm:s4], s20  }
0x9e: {  	_ =	swait.ge [sflag:s22], s20  }
0x9f: {  	s3 =	ssub.s32 $0x0, s20;
	[sflag:s22] =	ssyncset.done $0x0  }
0xa0: {  	[sflag:s22] =	ssyncadd.s32 s3;
	_ =	sdelay $0x1  }
0xa1: {  	s23 =	simm.s32 $0x1B8B  }
0xa2: {  	_ =	swait.ge [sflag:s23], $0x1  }
0xa3: {  	[sflag:s23] =	ssyncset.done $0x0  }
0xa4: {  	s25 =	simm.s32 $0x1B8E;
	s24 =	sld [smem:$0x3FFE];
	[sflag:s23] =	ssyncadd.s32 $0xFFFFFFFF  }
0xa5: {  	s26 =	simm.s32 $execute0_lowered;
	[smem:$0x3FD2] =	sst s25  }
0xa6: {  	s4 =	sshll.u32 s26, $0x1;
	_ =	strace $0x8000004C;
	[dreg:$0x1] =	wrdreg $0xFFFFFFFF  }
0xa7: {  	s28 =	simm.s32 $_size_execute0_lowered;
	s2 =	sadd.s32 s2, s4;
	[dreg:$0x0] =	wrdreg $0x0  }
0xa8: {  	s4 =	sshll.u32 s28, $0x1;
	[dreg:$0x2] =	wrdreg s2  }
0xa9: {  	[dreg:$0x3] =	wrdreg s4  }
0xaa: {  	[dreg:$0x4] =	wrdreg $0xC0  }
0xab: {  	_ =	task [dreg:s6], $0x5FFFF  }
0xac: {  	[dreg:$0x1] =	wrdreg $0xFFFFFFFF  }
0xad: {  	[dreg:$0x0] =	wrdreg $0x60  }
0xae: {  	[dreg:$0x2] =	wrdreg s24  }
0xaf: {  	[dreg:$0x3] =	wrdreg $0x9C400  }
0xb0: {  	[dreg:$0x4] =	wrdreg $0x9  }
0xb1: {  	_ =	task.clear_ibuf [dreg:s6], $0x5FFFF;
	_ =	strace $0x9000004C  }
0xb2: {  	s29 =	simm.s32 $0x9;
	_ =	strace $0x8000004E  }
0xb3: {  	_ =	swait.ge [sflag:s29], $0x1  }
0xb4: {  	[sflag:s29] =	ssyncadd.s32 $0xFFFFFFFF  }
0xb5: {  	_ =	strace $0x9000004E  }
0xb6: {  	_ =	sfence  }
0xb7: {  	s30 =	sld [smem:$0x0];
	_ =	sdelay $0x2  }
0xb8: {  	s31 =	sshll.u32 s1, $0xD;
	s1 =	sshrl.u32 s1, $0x2  }
0xb9: {  	s3 =	sand.u32 $0x4000, s31;
	s1 =	sadd.s32 s1, s30  }
0xba: {  	s0 =	sor.u32 s3, s0;
	s1 =	sshll.u32 s1, $0x11  }
0xbb: {  	s0 =	sor.u32 s1, s0  }
0xbc: {  	s0 =	sadd.s32 $0x8F2B, s0  }
0xbd: {  	[sflag:s0] =	ssyncadd.remote.s32 $0x1  }
0xbe: {  	_ =	sfence.sel $0xFFFF  }
0xbf: {  	[dreg:$0x0] =	wrdreg $0xFFFFFFFF;
	(pc) =	sbr.abs _section_cstart, $3  }
0xc0: {  	[dreg:$0x1] =	wrdreg $0xFFFFFFFF  }
0xc1: {  	_ =	task.clear_ibuf [dreg:s6], $0x2FFFF;
	_ =	strace $0x9FFFFFFF  }
0xc2: {  	(tm) =	ssettm $0x7FFFFFFF  }
0xc3: {  	_ =	shalt  }
tec
execute0_lowered:
.L_overlay_start_1:
0x0: {  	(tag) =	ssettag $0x1  }
0x1: {  	s0 =	srdreg.scid;
	s6 =	rddreg [dreg:$0x0]  }
0x2: {  	s2 =	rddreg [dreg:$0x1];
	s3 =	simm.s32 $0x0;
	s14 =	simm.s32 $0x4E20  }
0x3: {  	s15 =	simm.s32 $0x50;
	s5 =	sand.u32 $0x1, s0;
	s0 =	stileid.u32  }
0x4: {  	s16 =	simm.s32 $0x0;
	[smem:$0x7FF] =	sst s3;
	s7 =	smul.u32 $0x280, s0  }
0x5: {  	s1 =	sshll.u32 s5, $0x4;
	s8 =	smul.u32 $0x2800, s5;
	s5 =	ssub.s32 $0x2, s5  }
0x6: {  	s31 =	sshll.u32 s0, $0x6;
	s1 =	sor.u32 s0, s1;
	s30 =	sshrl.u32 s5, $0x1  }
0x7: {  	s4 =	smul.u32 $0x4E2, s1;
	s1 =	rddreg [dreg:$0x2];
	_ =	strace $0x8000004D  }
0x8: {  	s8 =	sadd.s32 s7, s8;
	s10 =	sshrl.u32 s7, $0x3;
	s12 =	ssub.s32 s5, s30  }
0x9: {  	s13 =	sadd.s32 s7, s2;
	s8 =	sshrl.u32 s8, $0x3;
	s10 =	sadd.s32 s10, s6  }
0xa: {  	s9 =	sadd.s32 s4, s6;
	s4 =	sadd.s32 $0x15A00, s6;
	s11 =	sadd.s32 s8, s6  }
0xb: {  	s5 =	sadd.s32 $0x15400, s10;
	s6 =	sor.u32 $0x1C01, s31;
	s10 =	smax.u32 s12, $0x1  }
0xc: {  	s12 =	simm.s32 $0x1;
	s7 =	sadd.s32 $0x1800, s9;
	s8 =	sadd.s32 $0xB600, s9  }
0xd: {  	s9 =	sadd.s32 $0x16000, s11;
	s11 =	sshrl.u32 s13, $0x3;
	s13 =	simm.s32 $0x2710  }
.LBB2_1:
0xe: {  	[spmem:s11], [sflag:s6] =	dma.local [hbm:s5], $0x50  }
0xf: {  	_ =	swait.ge [sflag:s12], $0x50  }
0x10: {  	[sflag:s12] =	ssyncset.done $0x0  }
0x11: {  	[sflag:s12] =	ssyncadd.s32 $0xFFFFFFB0  }
0x12: {  	[tilespmem:s13], [sflag:$0x1] =	stream.linear.gather [hbm4b:s7+s3], $0x2710, $0x38;
	[tilespmem:$0x9EC0] =	vst v63  }
0x13: {  	_ =	swait.ge [sflag:s12], $0x2710  }
0x14: {  	[sflag:s12] =	ssyncset.done $0x0  }
0x15: {  	[sflag:s12] =	ssyncadd.s32 $0xFFFFD8F0  }
0x16: {  	[tilespmem:s14], [sflag:$0x1] =	stream.linear.gather [hbm4b:s4+s3], $0x2710, $0x38;
	[tilespmem:$0x9EC0] =	vst v63  }
0x17: {  	_ =	swait.ge [sflag:s12], $0x2710  }
0x18: {  	[sflag:s12] =	ssyncset.done $0x0  }
0x19: {  	[sflag:s12] =	ssyncadd.s32 $0xFFFFD8F0  }
0x1a: {  	[tilespmem:s3], [sflag:$0x1] =	stream.linear.gather [hbm4b:s8+s3], $0x2710, $0x38;
	[tilespmem:$0x9EC0] =	vst v63  }
0x1b: {  	_ =	swait.ge [sflag:s12], $0x2710  }
0x1c: {  	[sflag:s12] =	ssyncset.done $0x0  }
0x1d: {  	s17 =	simm.s32 $0x0;
	[sflag:s12] =	ssyncadd.s32 $0xFFFFD8F0  }
0x1e: {  	v0 =	vld [tilespmem:s17+$0x0];
	_ =	sdelay $0x6  }
0x1f: {  	v1 =	vld [tilespmem:s17+$0x10]  }
0x20: {  	v0 =	vld.idx.msk [tilespmem:v0+s14+$0x0], $0xffff;
	_ =	sdelay $0x4  }
0x21: {  	[tilespmem:s17+$0x7530] =	vst v0;
	v0 =	vld [tilespmem:s17+$0x20];
	_ =	sdelay $0x1  }
0x22: {  	v1 =	vld.idx.msk [tilespmem:v1+s14+$0x0], $0xffff;
	_ =	sdelay $0x4  }
0x23: {  	[tilespmem:s17+$0x7540] =	vst v1;
	v1 =	vld [tilespmem:s17+$0x30]  }
0x24: {  	v0 =	vld.idx.msk [tilespmem:v0+s14+$0x0], $0xffff;
	_ =	sdelay $0x4  }
0x25: {  	[tilespmem:s17+$0x7550] =	vst v0;
	v0 =	vld [tilespmem:s17+$0x40];
	_ =	sdelay $0x1  }
0x26: {  	v1 =	vld.idx.msk [tilespmem:v1+s14+$0x0], $0xffff;
	_ =	sdelay $0x3  }
0x27: {  	s19 =	simm.s32 $0x50;
	s18 =	simm.s32 $0x280  }
.LBB2_2:
0x28: {  	p0 =	sne.s32 s18, $0x9B00;
	v2 =	vld [tilespmem:s19+$0x0];
	[tilespmem:s17+$0x7560] =	vst v1  }
0x29: {  	v0 =	vld.idx.msk [tilespmem:v0+s14+$0x0], $0xffff;
	_ =	sdelay $0x5  }
0x2a: {  	v1 =	vld [tilespmem:s19+$0x10];
	[tilespmem:s17+$0x7570] =	vst v0;
	s17 =	smov.u32 s19  }
0x2b: {  	v0 =	vld.idx.msk [tilespmem:v2+s14+$0x0], $0xffff;
	_ =	sdelay $0x5  }
0x2c: {  	[tilespmem:s17+$0x7530] =	vst v0;
	v0 =	vld [tilespmem:s17+$0x20]  }
0x2d: {  	v1 =	vld.idx.msk [tilespmem:v1+s14+$0x0], $0xffff;
	_ =	sdelay $0x5  }
0x2e: {  	[tilespmem:s17+$0x7540] =	vst v1;
	v1 =	vld [tilespmem:s17+$0x30]  }
0x2f: {  	v0 =	vld.idx.msk [tilespmem:v0+s14+$0x0], $0xffff;
	_ =	sdelay $0x5  }
0x30: {  	[tilespmem:s17+$0x7550] =	vst v0;
	v0 =	vld [tilespmem:s17+$0x40]  }
0x31: {  	v1 =	vld.idx.msk [tilespmem:v1+s14+$0x0], $0xffff  }
.Ltmp0:
0x32: {  	(pc) =	sbr.rel @p0 .LBB2_2-.Ltmp0, $2  }
0x33: {  	_ =	sdelay $0x2  }
0x34: {  	s19 =	sshra.s32 s18, $0x2;
	s18 =	sadd.s32 $0x140, s18  }
0x35: {  	_ =	sdelay $0x1  }
0x36: {  	v2 =	vld [tilespmem:s19+$0x0]  }
0x37: {  	[tilespmem:s17+$0x7560] =	vst v1  }
0x38: {  	v0 =	vld.idx.msk [tilespmem:v0+s14+$0x0], $0xffff;
	_ =	sdelay $0x3  }
0x39: {  	v1 =	vld [tilespmem:s19+$0x10]  }
0x3a: {  	[tilespmem:s17+$0x7570] =	vst v0  }
0x3b: {  	v0 =	vld.idx.msk [tilespmem:v2+s14+$0x0], $0xffff;
	_ =	sdelay $0x3  }
0x3c: {  	v61 =	vld [tilespmem:s19+$0x20]  }
0x3d: {  	[tilespmem:s19+$0x7530] =	vst v0  }
0x3e: {  	v1 =	vld.idx.msk [tilespmem:v1+s14+$0x0], $0xffff;
	_ =	sdelay $0x3  }
0x3f: {  	v62 =	vld [tilespmem:s19+$0x30]  }
0x40: {  	[tilespmem:s19+$0x7540] =	vst v1  }
0x41: {  	v0 =	vld.idx.msk [tilespmem:v61+s14+$0x0], $0xffff;
	_ =	sdelay $0x3  }
0x42: {  	v63 =	vld [tilespmem:s19+$0x40]  }
0x43: {  	[tilespmem:s19+$0x7550] =	vst v0  }
0x44: {  	v1 =	vld.idx.msk [tilespmem:v62+s14+$0x0], $0xffff;
	_ =	sdelay $0x4  }
0x45: {  	[tilespmem:s19+$0x7560] =	vst v1  }
0x46: {  	v0 =	vld.idx.msk [tilespmem:v63+s14+$0x0], $0xffff;
	_ =	sdelay $0x4  }
0x47: {  	[tilespmem:s19+$0x7570] =	vst v0  }
0x48: {  	s31 =	simm.s32 $0x7530;
	s18 =	simm.s32 $0x2710;
	[bflag:$0x0] =	sbarrier.arrive $0xFFFF  }
0x49: {  	[spmem:s2] =	stream.indirect.scatter.add.f32 [tilespmem:s31], [sflag:$0x1], $0x1, s18, s15, $0xb8;
	[tilespmem:$0x9EC0] =	vst v63  }
0x4a: {  	s17 =	simm.s32 $0x140;
	_ =	swait.ge [sflag:s12], $0x50  }
.LBB2_4:
0x4b: {  	s18 =	sshra.s32 s17, $0x2  }
0x4c: {  	[sflag:s12] =	ssyncset.done $0x0;
	p0 =	sne.s32 s17, $0x9B00;
	s19 =	sadd.s32 $0x7530, s18  }
.Ltmp1:
0x4d: {  	s18 =	sadd.s32 $0x2710, s18;
	[sflag:s12] =	ssyncadd.s32 $0xFFFFFFB0;
	(pc) =	sbr.rel @p0 .LBB2_4-.Ltmp1, $3  }
0x4e: {  	[spmem:s2] =	stream.indirect.scatter.add.f32 [tilespmem:s19], [sflag:$0x1], $0x1, s18, s15, $0xb8;
	[tilespmem:$0x9EC0] =	vst v63  }
0x4f: {  	s17 =	sadd.s32 $0x140, s17;
	_ =	sdelay $0x1  }
0x50: {  	_ =	swait.ge [sflag:s12], $0x50  }
0x51: {  	[sflag:s12] =	ssyncset.done $0x0;
	s16 =	sadd.s32 $0x1, s16  }
0x52: {  	[sflag:s12] =	ssyncadd.s32 $0xFFFFFFB0;
	p0 =	sne.s32 s16, s10  }
.Ltmp2:
0x53: {  	[bflag:$0x0] =	sbarrier.arrive $0xFFFF;
	(pc) =	sbr.rel @p0 .LBB2_1-.Ltmp2, $4  }
0x54: {  	[hbm:s9], [sflag:s6] =	dma.local [spmem:s11], $0x50  }
0x55: {  	_ =	swait.ge [sflag:s12], $0x50  }
0x56: {  	[sflag:s12] =	ssyncset.done $0x0  }
0x57: {  	[sflag:s12] =	ssyncadd.s32 $0xFFFFFFB0  }
0x58: {  	_ =	sfence.sel $0x180000  }
0x59: {  	[bflag:$0x0] =	sbarrier.arrive $0xFFFF  }
0x5a: {  	p0 =	sne.s32 s0, $0x0;
	_ =	strace $0x9000004D  }
0x5b: {  	s0 =	sadd.s32 @!p0 $0x100000, s1;
	[bflag:$0x2] =	sbarrier.arrive $0xFFFF  }
0x5c: {  	[sflag:s0] =	ssyncadd.tile.s32 @!p0 $0x1;
	_ =	shalt  }
.Lfunc_end2:
_tile_overlayer_lowered:
.L_overlay_start_2:
0x5d: {  	(tag) =	ssettag $0x2  }
0x5e: {  	s0 =	rddreg [dreg:$0x0];
	s2 =	stileid.u32  }
0x5f: {  	s1 =	rddreg [dreg:$0x1];
	p0 =	sne.s32 s2, $0x0  }
0x60: {  	s3 =	rddreg [dreg:$0x2];
	[bflag:$0x3] =	sbarrier.arrive $0xFFFF;
	s2 =	simm.s32 @!p0 $0x1C01  }
0x61: {  	[timem:s3], [sflag:s2] =	dma.local @!p0 [hbm:s0], s1  }
0x62: {  	s0 =	simm.s32 @!p0 $0x1  }
0x63: {  	_ =	swait.ge @!p0 [sflag:s0], s1  }
0x64: {  	s1 =	ssub.s32 @!p0 $0x0, s1;
	[sflag:s0] =	ssyncset.done @!p0 $0x0  }
0x65: {  	[sflag:s0] =	ssyncadd.s32 @!p0 s1  }
0x66: {  	[bflag:$0x3] =	sbarrier.arrive $0xFFFF  }
0x67: {  	_ =	shalt  }

// kernel: kernel.8.cloned.1.call-start
scs
__scs_entry_jumppad:
0x0: {  	(pc) =	sbr.rel $0x88, $3  }
0x1: {  	(tag) =	ssettag $0x0;
	lr =	simm.s32 $0x1  }
0x2: {  	[smem:$0x3F9B] =	sst lr;
	_ =	strace $0xD0000000  }
0x3: {  	_ = 	snop  }
0x4: {  	_ = 	snop  }
0x5: {  	_ = 	snop  }
0x6: {  	_ = 	snop  }
0x7: {  	_ = 	snop  }
__scs_overlays_trampoline_lowered:
0x8: {  	[smem:$0x3FAA] =	sst s0  }
0x9: {  	[smem:$0x3FAB] =	sst s1  }
0xa: {  	[smem:$0x3FAC] =	sst s2  }
0xb: {  	[smem:$0x3FAD] =	sst s3  }
0xc: {  	[smem:$0x3FAE] =	sst s4  }
0xd: {  	[smem:$0x3FAF] =	sst s5  }
0xe: {  	[smem:$0x3FB0] =	sst s6  }
0xf: {  	[smem:$0x3FB1] =	sst s7  }
0x10: {  	[smem:$0x3FB2] =	sst s8  }
0x11: {  	[smem:$0x3FB3] =	sst s9;
	s0 =	simm.s32 @!p0 $0x0  }
0x12: {  	s1 =	sld [smem:$0x3F99];
	s0 =	simm.s32 @p0 $0x1  }
0x13: {  	[smem:$0x3FB4] =	sst s0;
	s0 =	simm.s32 @!p1 $0x0  }
0x14: {  	s2 =	sld [smem:$0x3F98];
	s0 =	simm.s32 @p1 $0x1  }
0x15: {  	[smem:$0x3FB5] =	sst s0;
	s0 =	simm.s32 @!p2 $0x0  }
0x16: {  	s3 =	sld [smem:$0x3FDB];
	s0 =	simm.s32 @p2 $0x1  }
0x17: {  	s4 =	simm.s32 $0x1BF5;
	[smem:$0x3FB7] =	sst s0  }
0x18: {  	s0 =	sld [smem:$0x3F9A];
	_ =	swait.ge [sflag:s4], $0x0  }
0x19: {  	s7 =	sld [smem:$0x3F9B]  }
0x1a: {  	s8 =	sadd.s32 $0xFFFFE003, lr  }
0x1b: {  	s9 =	sadd.s32 $0xFFFFFEF7, lr;
	s5 =	simm.s32 $0xFFFFFFFF;
	p2 =	slt.u32 s8, $0xFFFFF086  }
0x1c: {  	p1 =	slt.u32 s9, $0xF7A;
	s5 =	simm.s32 @!p2 $0x0  }
0x1d: {  	s5 =	simm.s32 @p1 $0x1;
	p0 =	seq.s32 s7, s2  }
0x1e: {  	s7 =	smul.u32 @!p0 $0xF7A, s2;
	p2 =	seq.s32 @!p0 s5, $0x0  }
0x1f: {  	s9 =	smul.u32 $0xF7A, s1;
	s8 =	simm.s32 @!p0 $0x1BF5;
	p2 =	por !p2, p0  }
0x20: {  	[sflag:s8] =	ssyncset.s32 @!p0 $0xFFFFF086;
	s6 =	sadd.s32 @!p0 s3, s7;
	s7 =	simm.s32 @!p0 $0x108  }
0x21: {  	s3 =	sadd.s32 s3, s9;
	s6 =	sadd.s32 @!p0 $0x88, s6;
	s7 =	simm.s32 @p2 $0x1082  }
0x22: {  	[simem:s7], [sflag:s8] =	dma.local @!p0 [hbm:s6], $0xF7A  }
0x23: {  	s9 =	sor.u32 $0xD0000000, s2;
	s6 =	simm.s32 $0x108;
	_ =	swait.ge @!p0 [sflag:s8], $0x0  }
0x24: {  	s3 =	sadd.s32 $0x88, s3;
	s6 =	simm.s32 @!p1 $0x1082;
	[sflag:s4] =	ssyncset.s32 $0xFFFFF086  }
0x25: {  	[simem:s6], [sflag:s4] =	dma.local [hbm:s3], $0xF7A  }
0x26: {  	[smem:$0x3F9B] =	sst s1;
	(tag) =	ssettag s2;
	_ =	strace s9  }
0x27: {  	s1 =	sld [smem:$0x3FAB]  }
0x28: {  	s2 =	sld [smem:$0x3FAC]  }
0x29: {  	s4 =	sld [smem:$0x3FAE]  }
0x2a: {  	p0 =	seq.s32 s5, $0x0;
	s5 =	sld [smem:$0x3FAF]  }
0x2b: {  	s6 =	sld [smem:$0x3FB0]  }
0x2c: {  	s7 =	sld [smem:$0x3FB1]  }
0x2d: {  	s3 =	simm.s32 $0x108;
	s8 =	sld [smem:$0x3FB2]  }
0x2e: {  	s3 =	simm.s32 @!p0 $0x1082;
	s9 =	sld [smem:$0x3FB3]  }
0x2f: {  	lr =	sadd.s32 s0, s3;
	s0 =	sld [smem:$0x3FAA]  }
0x30: {  	s3 =	sld [smem:$0x3FAD]  }
0x31: {  	[smem:$0x3FB6] =	sst s10  }
0x32: {  	s10 =	sld [smem:$0x3FB4];
	_ =	sdelay $0x3  }
0x33: {  	p0 =	seq.s32 s10, $0x1;
	s10 =	sld [smem:$0x3FB6];
	_ =	sdelay $0x3  }
0x34: {  	[smem:$0x3FB6] =	sst s10  }
0x35: {  	s10 =	sld [smem:$0x3FB5];
	_ =	sdelay $0x3  }
0x36: {  	p1 =	seq.s32 s10, $0x1;
	s10 =	sld [smem:$0x3FB6];
	_ =	sdelay $0x3  }
0x37: {  	[smem:$0x3FB6] =	sst s10  }
0x38: {  	s10 =	sld [smem:$0x3FB7]  }
0x39: {  	_ = 	snop;
	(pc) =	sbr.ind lr, $3  }
0x3a: {  	_ = 	snop  }
0x3b: {  	_ = 	snop  }
0x3c: {  	p2 =	seq.s32 s10, $0x1;
	s10 =	sld [smem:$0x3FB6]  }
0x3d: {  	_ =	shalt  }
0x3e: {  	_ =	shalt  }
0x3f: {  	_ =	shalt  }
0x40: {  	_ =	shalt  }
0x41: {  	_ =	shalt  }
0x42: {  	_ =	shalt  }
0x43: {  	_ =	shalt  }
0x44: {  	_ =	shalt  }
0x45: {  	_ =	shalt  }
0x46: {  	_ =	shalt  }
0x47: {  	_ =	shalt  }
0x48: {  	_ =	shalt  }
0x49: {  	_ =	shalt  }
0x4a: {  	_ =	shalt  }
0x4b: {  	_ =	shalt  }
0x4c: {  	_ =	shalt  }
0x4d: {  	_ =	shalt  }
0x4e: {  	_ =	shalt  }
0x4f: {  	_ =	shalt  }
0x50: {  	_ =	shalt  }
0x51: {  	_ =	shalt  }
0x52: {  	_ =	shalt  }
0x53: {  	_ =	shalt  }
0x54: {  	_ =	shalt  }
0x55: {  	_ =	shalt  }
0x56: {  	_ =	shalt  }
0x57: {  	_ =	shalt  }
0x58: {  	_ =	shalt  }
0x59: {  	_ =	shalt  }
0x5a: {  	_ =	shalt  }
0x5b: {  	_ =	shalt  }
0x5c: {  	_ =	shalt  }
0x5d: {  	_ =	shalt  }
0x5e: {  	_ =	shalt  }
0x5f: {  	_ =	shalt  }
0x60: {  	_ =	shalt  }
0x61: {  	_ =	shalt  }
0x62: {  	_ =	shalt  }
0x63: {  	_ =	shalt  }
0x64: {  	_ =	shalt  }
0x65: {  	_ =	shalt  }
0x66: {  	_ =	shalt  }
0x67: {  	_ =	shalt  }
0x68: {  	_ =	shalt  }
0x69: {  	_ =	shalt  }
0x6a: {  	_ =	shalt  }
0x6b: {  	_ =	shalt  }
0x6c: {  	_ =	shalt  }
0x6d: {  	_ =	shalt  }
0x6e: {  	_ =	shalt  }
0x6f: {  	_ =	shalt  }
0x70: {  	_ =	shalt  }
0x71: {  	_ =	shalt  }
0x72: {  	_ =	shalt  }
0x73: {  	_ =	shalt  }
0x74: {  	_ =	shalt  }
0x75: {  	_ =	shalt  }
0x76: {  	_ =	shalt  }
0x77: {  	_ =	shalt  }
0x78: {  	_ =	shalt  }
0x79: {  	_ =	shalt  }
0x7a: {  	_ =	shalt  }
0x7b: {  	_ =	shalt  }
0x7c: {  	_ =	shalt  }
0x7d: {  	_ =	shalt  }
0x7e: {  	_ =	shalt  }
0x7f: {  	_ =	shalt  }
0x80: {  	_ =	shalt  }
0x81: {  	_ =	shalt  }
0x82: {  	_ =	shalt  }
0x83: {  	_ =	shalt  }
0x84: {  	_ =	shalt  }
0x85: {  	_ =	shalt  }
0x86: {  	_ =	shalt  }
0x87: {  	_ =	shalt  }
.Lfunc_end0:
.L_simem_size_0:
called_computation_lowered:
.L_overlay_start_0:
0x88: {  	s2 =	sld [smem:$0x3FD9]  }
0x89: {  	s3 =	sld [smem:$0x3FFE];
	_ =	sdelay $0x1  }
0x8a: {  	s1 =	srdreg.scid  }
0x8b: {  	s0 =	sand.u32 $0x1, s1  }
0x8c: {  	s16 =	sshll.u32 s0, $0xA;
	s2 =	sadd.s32 s3, s2  }
0x8d: {  	s2 =	sadd.s32 s2, s16  }
0x8e: {  	[smem:$0x3FC2] =	sst s2  }
0x8f: {  	_ = 	snop  }
0x90: {  	(tm) =	ssettm $0x1  }
0x91: {  	s17 =	sld [smem:$0x3FFB];
	_ =	sdelay $0x3  }
0x92: {  	_ =	strace s17  }
0x93: {  	s2 =	sld [smem:$0x3FFC];
	_ =	sdelay $0x3  }
0x94: {  	_ =	strace s2  }
0x95: {  	s2 =	sld [smem:$0x3FFD];
	_ =	sdelay $0x3  }
0x96: {  	_ =	strace s2  }
0x97: {  	_ =	strace $0x8FFFFFFF  }
0x98: {  	s18 =	sld [smem:$0x3FDB];
	_ =	sdelay $0x1  }
0x99: {  	s19 =	simm.s32 $_scs_section_size  }
0x9a: {  	s4 =	simm.s32 $_size__tile_overlayer_lowered;
	s5 =	simm.s32 $_tile_overlayer_lowered  }
0x9b: {  	s22 =	simm.s32 $0x1BFF;
	s21 =	sshll.u32 s5, $0x1;
	s2 =	sadd.s32 s19, s18  }
0x9c: {  	s6 =	simm.s32 $0x0;
	s20 =	sshll.u32 s4, $0x1;
	s4 =	sadd.s32 s21, s2  }
0x9d: {  	[timem:s6], [sflag:s22] =	dma.local [hbm:s4], s20  }
0x9e: {  	_ =	swait.ge [sflag:s22], s20  }
0x9f: {  	s3 =	ssub.s32 $0x0, s20;
	[sflag:s22] =	ssyncset.done $0x0  }
0xa0: {  	[sflag:s22] =	ssyncadd.s32 s3;
	_ =	sdelay $0x1  }
0xa1: {  	s23 =	simm.s32 $0x1B8B  }
0xa2: {  	_ =	swait.ge [sflag:s23], $0x1  }
0xa3: {  	[sflag:s23] =	ssyncset.done $0x0  }
0xa4: {  	s25 =	simm.s32 $0x1B8E;
	s24 =	sld [smem:$0x3FFE];
	[sflag:s23] =	ssyncadd.s32 $0xFFFFFFFF  }
0xa5: {  	s26 =	simm.s32 $execute0_lowered;
	[smem:$0x3FD2] =	sst s25  }
0xa6: {  	s4 =	sshll.u32 s26, $0x1;
	_ =	strace $0x80000046;
	[dreg:$0x1] =	wrdreg $0xFFFFFFFF  }
0xa7: {  	s28 =	simm.s32 $_size_execute0_lowered;
	s2 =	sadd.s32 s2, s4;
	[dreg:$0x0] =	wrdreg $0x0  }
0xa8: {  	s4 =	sshll.u32 s28, $0x1;
	[dreg:$0x2] =	wrdreg s2  }
0xa9: {  	[dreg:$0x3] =	wrdreg s4  }
0xaa: {  	[dreg:$0x4] =	wrdreg $0xC0  }
0xab: {  	_ =	task [dreg:s6], $0x5FFFF  }
0xac: {  	[dreg:$0x1] =	wrdreg $0xFFFFFFFF  }
0xad: {  	[dreg:$0x0] =	wrdreg $0x60  }
0xae: {  	[dreg:$0x2] =	wrdreg s24  }
0xaf: {  	[dreg:$0x3] =	wrdreg $0x4E200  }
0xb0: {  	[dreg:$0x4] =	wrdreg $0x9  }
0xb1: {  	_ =	task.clear_ibuf [dreg:s6], $0x5FFFF;
	_ =	strace $0x90000046  }
0xb2: {  	s29 =	simm.s32 $0x9;
	_ =	strace $0x80000048  }
0xb3: {  	_ =	swait.ge [sflag:s29], $0x1  }
0xb4: {  	[sflag:s29] =	ssyncadd.s32 $0xFFFFFFFF  }
0xb5: {  	_ =	strace $0x90000048  }
0xb6: {  	_ =	sfence  }
0xb7: {  	s30 =	sld [smem:$0x0];
	_ =	sdelay $0x2  }
0xb8: {  	s31 =	sshll.u32 s1, $0xD;
	s1 =	sshrl.u32 s1, $0x2  }
0xb9: {  	s3 =	sand.u32 $0x4000, s31;
	s1 =	sadd.s32 s1, s30  }
0xba: {  	s0 =	sor.u32 s3, s0;
	s1 =	sshll.u32 s1, $0x11  }
0xbb: {  	s0 =	sor.u32 s1, s0  }
0xbc: {  	s0 =	sadd.s32 $0x8F2B, s0  }
0xbd: {  	[sflag:s0] =	ssyncadd.remote.s32 $0x1  }
0xbe: {  	_ =	sfence.sel $0xFFFF  }
0xbf: {  	[dreg:$0x0] =	wrdreg $0xFFFFFFFF;
	(pc) =	sbr.abs _section_cstart, $3  }
0xc0: {  	[dreg:$0x1] =	wrdreg $0xFFFFFFFF  }
0xc1: {  	_ =	task.clear_ibuf [dreg:s6], $0x2FFFF;
	_ =	strace $0x9FFFFFFF  }
0xc2: {  	(tm) =	ssettm $0x7FFFFFFF  }
0xc3: {  	_ =	shalt  }
tec
execute0_lowered:
.L_overlay_start_1:
0x0: {  	(tag) =	ssettag $0x1  }
0x1: {  	s0 =	srdreg.scid;
	s5 =	rddreg [dreg:$0x0]  }
0x2: {  	s2 =	rddreg [dreg:$0x1];
	s3 =	simm.s32 $0x0;
	s12 =	simm.s32 $0x2710  }
0x3: {  	s13 =	simm.s32 $0x0;
	s4 =	sand.u32 $0x1, s0;
	s0 =	stileid.u32  }
0x4: {  	[smem:$0x7FF] =	sst s3;
	s1 =	sshll.u32 s4, $0x4;
	s7 =	smul.u32 $0x280, s0  }
0x5: {  	s8 =	smul.u32 $0x2800, s4;
	s4 =	ssub.s32 $0x2, s4;
	s1 =	sor.u32 s0, s1  }
0x6: {  	s31 =	sshll.u32 s0, $0x6;
	s10 =	sshrl.u32 s4, $0x1;
	s6 =	smul.u32 $0x4E2, s1  }
0x7: {  	s1 =	rddreg [dreg:$0x2];
	_ =	strace $0x80000047;
	s8 =	sadd.s32 s7, s8  }
0x8: {  	s9 =	sshrl.u32 s7, $0x3;
	s10 =	ssub.s32 s4, s10;
	s11 =	sadd.s32 s7, s2  }
0x9: {  	s8 =	sshrl.u32 s8, $0x3;
	s9 =	sadd.s32 s9, s5;
	s6 =	sadd.s32 s6, s5  }
0xa: {  	s8 =	sadd.s32 s8, s5;
	s4 =	sadd.s32 $0x15400, s9;
	s5 =	sor.u32 $0x1C01, s31  }
0xb: {  	s9 =	sshrl.u32 s11, $0x3;
	s11 =	simm.s32 $0x50;
	s6 =	sadd.s32 $0x1800, s6  }
0xc: {  	v0 =	vimm.f32 $1.000000000e+00;
	s7 =	sadd.s32 $0x16000, s8;
	s8 =	smax.u32 s10, $0x1;
	s10 =	simm.s32 $0x1  }
.LBB2_1:
0xd: {  	[spmem:s9], [sflag:s5] =	dma.local [hbm:s4], $0x50  }
0xe: {  	_ =	swait.ge [sflag:s10], $0x50  }
0xf: {  	[sflag:s10] =	ssyncset.done $0x0  }
0x10: {  	[sflag:s10] =	ssyncadd.s32 $0xFFFFFFB0  }
0x11: {  	[tilespmem:s3], [sflag:$0x1] =	stream.linear.gather [hbm4b:s6+s3], $0x2710, $0x38;
	[tilespmem:$0x50A0] =	vst v63  }
0x12: {  	_ =	swait.ge [sflag:s10], $0x2710  }
0x13: {  	[sflag:s10] =	ssyncset.done $0x0  }
0x14: {  	[sflag:s10] =	ssyncadd.s32 $0xFFFFD8F0  }
0x15: {  	[tilespmem:$0x2710] =	vst v0  }
0x16: {  	[tilespmem:$0x2720] =	vst v0  }
0x17: {  	[tilespmem:$0x2730] =	vst v0  }
0x18: {  	[tilespmem:$0x2740] =	vst v0  }
0x19: {  	[tilespmem:$0x2750] =	vst v0  }
0x1a: {  	s14 =	simm.s32 $0x0;
	[bflag:$0x0] =	sbarrier.arrive $0xFFFF  }
0x1b: {  	[spmem:s2] =	stream.indirect.scatter.add.f32 [tilespmem:s12], [sflag:$0x1], $0x1, s14, s11, $0xb8;
	[tilespmem:$0x50A0] =	vst v63  }
0x1c: {  	_ =	swait.ge [sflag:s10], $0x50  }
0x1d: {  	s14 =	simm.s32 $0x140;
	[sflag:s10] =	ssyncset.done $0x0  }
.LBB2_2:
0x1e: {  	s15 =	sshra.s32 s14, $0x2;
	[sflag:s10] =	ssyncadd.s32 $0xFFFFFFB0;
	p0 =	sne.s32 s14, $0x9B00  }
0x1f: {  	[spmem:s2] =	stream.indirect.scatter.add.f32 [tilespmem:s12], [sflag:$0x1], $0x1, s15, s11, $0xb8;
	[tilespmem:$0x50A0] =	vst v63  }
.Ltmp0:
0x20: {  	_ = 	snop;
	(pc) =	sbr.rel @p0 .LBB2_2-.Ltmp0, $4  }
0x21: {  	_ = 	snop  }
0x22: {  	s14 =	sadd.s32 $0x140, s14  }
0x23: {  	_ =	swait.ge [sflag:s10], $0x50  }
0x24: {  	[sflag:s10] =	ssyncset.done $0x0  }
0x25: {  	s13 =	sadd.s32 $0x1, s13  }
0x26: {  	[sflag:s10] =	ssyncadd.s32 $0xFFFFFFB0;
	p0 =	sne.s32 s13, s8  }
.Ltmp1:
0x27: {  	[bflag:$0x0] =	sbarrier.arrive $0xFFFF;
	(pc) =	sbr.rel @p0 .LBB2_1-.Ltmp1, $4  }
0x28: {  	[hbm:s7], [sflag:s5] =	dma.local [spmem:s9], $0x50  }
0x29: {  	_ =	swait.ge [sflag:s10], $0x50  }
0x2a: {  	[sflag:s10] =	ssyncset.done $0x0  }
0x2b: {  	[sflag:s10] =	ssyncadd.s32 $0xFFFFFFB0  }
0x2c: {  	_ =	sfence.sel $0x180000  }
0x2d: {  	[bflag:$0x0] =	sbarrier.arrive $0xFFFF  }
0x2e: {  	p0 =	sne.s32 s0, $0x0;
	_ =	strace $0x90000047  }
0x2f: {  	s0 =	sadd.s32 @!p0 $0x100000, s1;
	[bflag:$0x2] =	sbarrier.arrive $0xFFFF  }
0x30: {  	[sflag:s0] =	ssyncadd.tile.s32 @!p0 $0x1;
	_ =	shalt  }
.Lfunc_end2:
_tile_overlayer_lowered:
.L_overlay_start_2:
0x31: {  	(tag) =	ssettag $0x2  }
0x32: {  	s0 =	rddreg [dreg:$0x0];
	s2 =	stileid.u32  }
0x33: {  	s1 =	rddreg [dreg:$0x1];
	p0 =	sne.s32 s2, $0x0  }
0x34: {  	s3 =	rddreg [dreg:$0x2];
	[bflag:$0x3] =	sbarrier.arrive $0xFFFF;
	s2 =	simm.s32 @!p0 $0x1C01  }
0x35: {  	[timem:s3], [sflag:s2] =	dma.local @!p0 [hbm:s0], s1  }
0x36: {  	s0 =	simm.s32 @!p0 $0x1  }
0x37: {  	_ =	swait.ge @!p0 [sflag:s0], s1  }
0x38: {  	s1 =	ssub.s32 @!p0 $0x0, s1;
	[sflag:s0] =	ssyncset.done @!p0 $0x0  }
0x39: {  	[sflag:s0] =	ssyncadd.s32 @!p0 s1  }
0x3a: {  	[bflag:$0x3] =	sbarrier.arrive $0xFFFF  }
0x3b: {  	_ =	shalt  }

</sc_bundles>
